<compile_context>
chip_gen: v7x
topology: tpu7x:2x2x1
jax: 0.10.2.dev20260603
libtpu: 0.0.44.dev20260713+nightly
codegen_flags: <defaults>
</compile_context>

<pallas_src>
import functools

import jax
import jax.numpy as jnp
from jax import lax
from jax.experimental import pallas as pl
from jax.experimental.pallas import tpu as pltpu
from jax.experimental.pallas import tpu_sc as plsc

NC = 2
NS = 16
CH = 125


def _make_sc_scatter(n, d, e):
    nw = NC * NS
    epw = e // nw
    chunks = epw // CH
    zrows = 128
    npad = -(-n // (NS * zrows)) * (NS * zrows)
    rows_per_tile = npad // NS
    assert epw % CH == 0 and chunks % 8 == 0 and rows_per_tile % zrows == 0

    mesh = plsc.VectorSubcoreMesh(core_axis_name="c", subcore_axis_name="s")

    passes = 2
    cpp = chunks // passes
    assert chunks % passes == 0 and cpp % 8 == 0

    @functools.partial(
        pl.kernel, mesh=mesh,
        out_type=[jax.ShapeDtypeStruct((NC * npad, d), jnp.float32)],
        scratch_types=[
            pltpu.VMEM((cpp, CH), jnp.int32),
            pltpu.VMEM((cpp, CH), jnp.int32),
            pltpu.VMEM((CH, d), jnp.float32),
            pltpu.VMEM((CH, d), jnp.float32),
            pltpu.VMEM_SHARED((npad, d), jnp.float32),
            pltpu.SemaphoreType.DMA,
            pltpu.SemaphoreType.DMA,
        ])
    def sc_kernel(x_hbm, src_hbm, dst_hbm, z_hbm, out_hbm,
                  src_v, dst_v, g0, g1, acc, sem0, sem1):
        c = lax.axis_index("c")
        s = lax.axis_index("s")
        w = c * NS + s

        row0 = s * rows_per_tile
        for i in range(rows_per_tile // zrows):
            pltpu.sync_copy(z_hbm, acc.at[pl.ds(row0 + i * zrows, zrows)])
        plsc.subcore_barrier()

        for p in range(passes):
            base = w * chunks + p * cpp
            pltpu.sync_copy(src_hbm.at[pl.ds(base, cpp)], src_v)
            pltpu.sync_copy(dst_hbm.at[pl.ds(base, cpp)], dst_v)
            pltpu.async_copy(x_hbm.at[src_v.at[0]], g0, sem0)

            def body(j, carry):
                @pl.when(j % 2 == 0)
                def _():
                    pltpu.make_async_copy(x_hbm.at[src_v.at[j]], g0,
                                          sem0).wait()

                    @pl.when(j + 1 < cpp)
                    def _():
                        pltpu.async_copy(x_hbm.at[src_v.at[j + 1]], g1, sem1)
                    pltpu.sync_copy(g0, acc.at[dst_v.at[j]], add=True)

                @pl.when(j % 2 == 1)
                def _():
                    pltpu.make_async_copy(x_hbm.at[src_v.at[j]], g1,
                                          sem1).wait()

                    @pl.when(j + 1 < cpp)
                    def _():
                        pltpu.async_copy(x_hbm.at[src_v.at[j + 1]], g0, sem0)
                    pltpu.sync_copy(g1, acc.at[dst_v.at[j]], add=True)
                return carry

            lax.fori_loop(0, cpp, body, 0)
        plsc.subcore_barrier()

        pltpu.sync_copy(acc.at[pl.ds(row0, rows_per_tile)],
                        out_hbm.at[pl.ds(c * npad + row0, rows_per_tile)])

    return sc_kernel


def _make_sc_deg(n, e):
    nw = NC * NS
    epw = e // nw
    npad = -(-n // (NS * 128)) * (NS * 128)
    stripe = npad // NS
    assert epw % 16 == 0 and stripe % 16 == 0

    mesh = plsc.VectorSubcoreMesh(core_axis_name="c", subcore_axis_name="s")

    chunks = epw // CH
    zrows = 128
    rows_per_tile = npad // NS

    @functools.partial(
        pl.kernel, mesh=mesh,
        out_type=[jax.ShapeDtypeStruct((NC * npad, 128), jnp.float32)],
        scratch_types=[
            pltpu.VMEM((chunks, CH), jnp.int32),
            pltpu.VMEM((CH, 128), jnp.float32),
            pltpu.VMEM_SHARED((npad, 128), jnp.float32),
            pltpu.SemaphoreType.DMA,
        ])
    def deg_kernel(dst_hbm, z_hbm, ones_hbm, out_hbm,
                   dst_v, ones_v, dacc, sem):
        c = lax.axis_index("c")
        s = lax.axis_index("s")
        w = c * NS + s
        pltpu.sync_copy(ones_hbm, ones_v)
        row0 = s * rows_per_tile
        for i in range(rows_per_tile // zrows):
            pltpu.sync_copy(z_hbm, dacc.at[pl.ds(row0 + i * zrows, zrows)])
        plsc.subcore_barrier()
        pltpu.sync_copy(dst_hbm.at[pl.ds(w * chunks, chunks)], dst_v)

        def body(j, carry):
            pltpu.async_copy(ones_v, dacc.at[dst_v.at[j]], sem, add=True)
            return carry

        lax.fori_loop(0, chunks, body, 0)

        def drain(j, carry):
            pltpu.make_async_copy(ones_v, dacc.at[dst_v.at[0]], sem).wait()
            return carry

        lax.fori_loop(0, chunks, drain, 0)
        plsc.subcore_barrier()
        pltpu.sync_copy(dacc.at[pl.ds(row0, rows_per_tile)],
                        out_hbm.at[pl.ds(c * npad + row0, rows_per_tile)])

    return deg_kernel


def _rgcn_dense_body(p0, p1, dg, x, W, R, b, o):
    deg = jnp.maximum(dg[...], 1.0)
    agg = (p0[...] + p1[...]) / deg
    h = (jnp.dot(agg, W[...], preferred_element_type=jnp.float32)
         + jnp.dot(x[...], R[...], preferred_element_type=jnp.float32)
         + b[...])
    o[...] = jnp.maximum(h, 0.0)


def _tc_layer1(p0, p1, dg, x, W, R, b, n, d, blk):
    grid = (n // blk,)
    row = lambda i: (i, 0)
    fixed = lambda i: (0, 0)
    return pl.pallas_call(
        _rgcn_dense_body,
        grid=grid,
        in_specs=[
            pl.BlockSpec((blk, d), row), pl.BlockSpec((blk, d), row),
            pl.BlockSpec((blk, 1), row),
            pl.BlockSpec((blk, d), row),
            pl.BlockSpec((d, d), fixed), pl.BlockSpec((d, d), fixed),
            pl.BlockSpec((1, d), fixed),
        ],
        out_specs=pl.BlockSpec((blk, d), row),
        out_shape=jax.ShapeDtypeStruct((n, d), jnp.float32),
    )(p0, p1, dg, x, W, R, b)


def _pool_body(p0, p1, dg, x, W, R, b, bat, Wh, bh, Wc, bc, Wo, bo,
               logits, hidden, cell, psum, cnt, *, nb, ng):
    i = pl.program_id(0)
    deg = jnp.maximum(dg[...], 1.0)
    agg = (p0[...] + p1[...]) / deg
    h = (jnp.dot(agg, W[...], preferred_element_type=jnp.float32)
         + jnp.dot(x[...], R[...], preferred_element_type=jnp.float32)
         + b[...])
    h2 = jnp.maximum(h, 0.0)
    bm = bat[...].reshape(1, -1)
    labels = lax.broadcasted_iota(jnp.int32, (nb, bm.shape[1]), 0)
    mask = (labels == bm).astype(jnp.float32)
    ps = jnp.dot(mask, h2, preferred_element_type=jnp.float32)
    ct = jnp.broadcast_to(jnp.sum(mask, axis=1, keepdims=True), psum.shape)

    @pl.when(i == 0)
    def _():
        psum[...] = ps
        cnt[...] = ct

    @pl.when(i != 0)
    def _():
        psum[...] += ps
        cnt[...] += ct

    @pl.when(i == ng - 1)
    def _():
        pooled = psum[...] / jnp.maximum(cnt[...], 1.0)
        hid = (jnp.dot(pooled, Wh[...], preferred_element_type=jnp.float32)
               + bh[...])
        cel = (jnp.dot(pooled, Wc[...], preferred_element_type=jnp.float32)
               + bc[...])
        z = (jnp.dot(hid, Wo[...], preferred_element_type=jnp.float32)
             + bo[...])
        m = jnp.max(z, axis=1, keepdims=True)
        lse = jnp.log(jnp.sum(jnp.exp(z - m), axis=1, keepdims=True)) + m
        logits[...] = z - lse
        hidden[...] = hid
        cell[...] = cel


def _tc_layer2_pool(p0, p1, dg, h1, bat3, Wts, n, d, nb, vp, blk):
    W, R, b, Wh, bh, Wc, bc, Wop, bop = Wts
    ng = n // blk
    row = lambda i: (i, 0)
    fixed = lambda i: (0, 0)
    return pl.pallas_call(
        functools.partial(_pool_body, nb=nb, ng=ng),
        grid=(ng,),
        in_specs=[
            pl.BlockSpec((blk, d), row), pl.BlockSpec((blk, d), row),
            pl.BlockSpec((blk, 1), row),
            pl.BlockSpec((blk, d), row),
            pl.BlockSpec((d, d), fixed), pl.BlockSpec((d, d), fixed),
            pl.BlockSpec((1, d), fixed),
            pl.BlockSpec((1, 1, blk), lambda i: (i, 0, 0)),
            pl.BlockSpec((d, d), fixed), pl.BlockSpec((1, d), fixed),
            pl.BlockSpec((d, d), fixed), pl.BlockSpec((1, d), fixed),
            pl.BlockSpec((d, vp), fixed), pl.BlockSpec((1, vp), fixed),
        ],
        out_specs=[pl.BlockSpec((nb, vp), fixed),
                   pl.BlockSpec((nb, d), fixed),
                   pl.BlockSpec((nb, d), fixed)],
        out_shape=[jax.ShapeDtypeStruct((nb, vp), jnp.float32),
                   jax.ShapeDtypeStruct((nb, d), jnp.float32),
                   jax.ShapeDtypeStruct((nb, d), jnp.float32)],
        scratch_shapes=[pltpu.VMEM((nb, d), jnp.float32),
                        pltpu.VMEM((nb, d), jnp.float32)],
    )(p0, p1, dg, h1, W, R, b, bat3, Wh, bh, Wc, bc, Wop, bop)


def kernel(prev_symbol, x, edge_index, batch, W1, R1, b1, W2, R2, b2,
           Wh, bh, Wc, bc, Wo, bo):
    n, d = x.shape
    e = edge_index.shape[1]
    nb = prev_symbol.shape[0]
    v = bo.shape[0]
    vp = 128
    blk = 1000

    npad = -(-n // (NS * 128)) * (NS * 128)
    src2 = edge_index[0].reshape(e // CH, CH)
    dst2 = edge_index[1].reshape(e // CH, CH)
    zeros = jnp.zeros((128, d), jnp.float32)
    ones128 = jnp.ones((CH, 128), jnp.float32)
    bat3 = batch.reshape(n // blk, 1, blk)
    Wop = jnp.pad(Wo, ((0, 0), (0, vp - v)))
    bop = jnp.pad(bo, (0, vp - v), constant_values=-1e9).reshape(1, vp)

    sc_scatter = _make_sc_scatter(n, d, e)
    sc_deg = _make_sc_deg(n, e)

    (degp,) = sc_deg(dst2, zeros, ones128)
    dg = degp[:n, :1] + degp[npad:npad + n, :1]
    (agg1,) = sc_scatter(x, src2, dst2, zeros)
    h1 = _tc_layer1(agg1[:n], agg1[npad:npad + n], dg, x,
                    W1, R1, b1.reshape(1, d), n, d, blk)
    (agg2,) = sc_scatter(h1, src2, dst2, zeros)
    wts = (W2, R2, b2.reshape(1, d), Wh, bh.reshape(1, d),
           Wc, bc.reshape(1, d), Wop, bop)
    logits_p, hidden, cell = _tc_layer2_pool(
        agg2[:n], agg2[npad:npad + n], dg, h1, bat3, wts, n, d, nb, vp, blk)
    return (logits_p[:, :v], hidden, cell)

# --- scband reference (transcript-rebuilt; emitter-appended) ---
"""Pipeline reference for scband-sender-agent-25314537243115 (READ-ONLY COPY).

The authoritative reference and input builder live on the scoring server;
editing this copy changes nothing except your own understanding.
"""

import jax, jax.numpy as jnp
import numpy as np

N = 10000
E = 320000
D = 128   # feat_size
HE = 128  # embedding_size
H = 128   # hidden_size
B = 64    # number of graphs in batch
V = 100   # vocab_size


def setup_inputs(seed: int = 0) -> dict:
    key = jax.random.key(seed)
    ks = jax.random.split(key, 20)
    x = jax.random.normal(ks[0], (N, D), dtype=jnp.float32)
    edge_index = jax.random.randint(ks[1], (2, E), 0, N, dtype=jnp.int32)
    batch = jnp.sort(jax.random.randint(ks[2], (N,), 0, B, dtype=jnp.int32))
    prev_symbol = jax.random.randint(ks[3], (B,), 0, V, dtype=jnp.int32)

    def init_w(k, fan_in, shape):
        return (jax.random.normal(k, shape, dtype=jnp.float32) / np.sqrt(fan_in)).astype(jnp.float32)

    # RGCN layer 1: relation weight + root weight + bias
    W1 = init_w(ks[4], D, (D, HE))
    R1 = init_w(ks[5], D, (D, HE))
    b1 = jnp.zeros((HE,), dtype=jnp.float32)
    # RGCN layer 2
    W2 = init_w(ks[6], HE, (HE, H))
    R2 = init_w(ks[7], HE, (HE, H))
    b2 = jnp.zeros((H,), dtype=jnp.float32)
    # init_h / init_c linear layers
    Wh = init_w(ks[8], H, (H, H))
    bh = jnp.zeros((H,), dtype=jnp.float32)
    Wc = init_w(ks[9], H, (H, H))
    bc = jnp.zeros((H,), dtype=jnp.float32)
    # output layer
    Wo = init_w(ks[10], H, (H, V))
    bo = jnp.zeros((V,), dtype=jnp.float32)
    return {
        "prev_symbol": prev_symbol, "x": x, "edge_index": edge_index, "batch": batch,
        "W1": W1, "R1": R1, "b1": b1, "W2": W2, "R2": R2, "b2": b2,
        "Wh": Wh, "bh": bh, "Wc": Wc, "bc": bc, "Wo": Wo, "bo": bo,
    }


def _rgcn(x, edge_index, W_rel, W_root, bias):
    # Single-relation RGCNConv with mean aggregation over incoming edges.
    src = edge_index[0]
    dst = edge_index[1]
    msg = jnp.take(x, src, axis=0) @ W_rel
    agg = jax.ops.segment_sum(msg, dst, num_segments=x.shape[0])
    deg = jax.ops.segment_sum(jnp.ones((edge_index.shape[1],), dtype=x.dtype), dst, num_segments=x.shape[0])
    agg = agg / jnp.clip(deg, 1.0)[:, None]
    return agg + x @ W_root + bias


def reference(prev_symbol, x, edge_index, batch, W1, R1, b1, W2, R2, b2, Wh, bh, Wc, bc, Wo, bo):
    h = _rgcn(x, edge_index, W1, R1, b1)
    h = jax.nn.relu(h)
    h = _rgcn(h, edge_index, W2, R2, b2)
    h = jax.nn.relu(h)
    # global_mean_pool over graph batch assignment
    sums = jax.ops.segment_sum(h, batch, num_segments=B)
    counts = jax.ops.segment_sum(jnp.ones((h.shape[0],), dtype=h.dtype), batch, num_segments=B)
    pooled = sums / jnp.clip(counts, 1.0)[:, None]
    hidden = pooled @ Wh + bh
    cell = pooled @ Wc + bc
    logits = jax.nn.log_softmax(hidden @ Wo + bo, axis=1)
    return (logits, hidden, cell)

if __name__ == "__main__":
    import jax
    _d = setup_inputs()
    print(jax.jit(kernel)(*tuple(_d.values())))

</pallas_src>

<mosaic_0001>
#map = affine_map<(d0, d1) -> (0, 0)>
module attributes {stable_mosaic.version = 14 : i64} {
  func.func @deg_kernel(%arg0: i32, %arg1: i32, %arg2: memref<2560x125xi32, #tpu.memory_space<hbm>>, %arg3: memref<128x128xf32, #tpu.memory_space<hbm>>, %arg4: memref<125x128xf32, #tpu.memory_space<hbm>>, %arg5: memref<20480x128xf32, #tpu.memory_space<hbm>>, %arg6: memref<80x125xi32, #tpu.memory_space<vmem>>, %arg7: memref<125x128xf32, #tpu.memory_space<vmem>>, %arg8: memref<10240x128xf32, #tpu.memory_space<vmem_shared>>, %arg9: memref<!tpu.dma_semaphore, #tpu.memory_space<semaphore_mem>>) attributes {dimension_semantics = [#tpu.dimension_semantics<core_parallel>, #tpu.dimension_semantics<subcore_parallel>], iteration_bounds = array<i64: 2, 16>, scalar_prefetch = 0 : i64, scratch_operands = 4 : i64, tpu.core_type = #tpu.core_type<sc_vector_subcore>, window_params = [{transform_indices = #map}, {transform_indices = #map}, {transform_indices = #map}, {transform_indices = #map}]} {
    %mul3A = arith.constant 16 : i32
    %mul3A_0 = arith.muli %arg0, %mul3A : i32
    %add3A = arith.addi %mul3A_0, %arg1 : i32
    "tpu.region"() ({
      %run_scoped3A = tpu.sem_alloc : memref<!tpu.dma_semaphore, #tpu.memory_space<semaphore_mem>>
      tpu.enqueue_dma source(%arg4 : memref<125x128xf32, #tpu.memory_space<hbm>>) target(%arg7 : memref<125x128xf32, #tpu.memory_space<vmem>>) target_semaphore(%run_scoped3A : memref<!tpu.dma_semaphore, #tpu.memory_space<semaphore_mem>>)
      tpu.wait_dma2 semaphore(%run_scoped3A : memref<!tpu.dma_semaphore, #tpu.memory_space<semaphore_mem>>) src(%arg4 : memref<125x128xf32, #tpu.memory_space<hbm>>) dst(%arg7 : memref<125x128xf32, #tpu.memory_space<vmem>>)
      tpu.yield
    }) : () -> ()
    %mul3A_1 = arith.constant 640 : i32
    %mul3A_2 = arith.muli %arg1, %mul3A_1 : i32
    %add3A_3 = arith.constant 0 : i32
    %add3A_4 = arith.addi %mul3A_2, %add3A_3 : i32
    "tpu.region"() ({
      %run_scoped3A = tpu.sem_alloc : memref<!tpu.dma_semaphore, #tpu.memory_space<semaphore_mem>>
      %dma_start3A = arith.constant 0 : i32
      %dma_start3A_30 = tpu.memref_slice %arg8[%add3A_4, %dma_start3A] : memref<10240x128xf32, #tpu.memory_space<vmem_shared>> -> memref<128x128xf32, #tpu.memory_space<vmem_shared>>
      tpu.enqueue_dma source(%arg3 : memref<128x128xf32, #tpu.memory_space<hbm>>) target(%dma_start3A_30 : memref<128x128xf32, #tpu.memory_space<vmem_shared>>) target_semaphore(%run_scoped3A : memref<!tpu.dma_semaphore, #tpu.memory_space<semaphore_mem>>)
      %dma_wait3A = arith.constant 0 : i32
      %dma_wait3A_31 = tpu.memref_slice %arg8[%add3A_4, %dma_wait3A] : memref<10240x128xf32, #tpu.memory_space<vmem_shared>> -> memref<128x128xf32, #tpu.memory_space<vmem_shared>>
      tpu.wait_dma2 semaphore(%run_scoped3A : memref<!tpu.dma_semaphore, #tpu.memory_space<semaphore_mem>>) src(%arg3 : memref<128x128xf32, #tpu.memory_space<hbm>>) dst(%dma_wait3A_31 : memref<128x128xf32, #tpu.memory_space<vmem_shared>>)
      tpu.yield
    }) : () -> ()
    %add3A_5 = arith.constant 128 : i32
    %add3A_6 = arith.addi %mul3A_2, %add3A_5 : i32
    "tpu.region"() ({
      %run_scoped3A = tpu.sem_alloc : memref<!tpu.dma_semaphore, #tpu.memory_space<semaphore_mem>>
      %dma_start3A = arith.constant 0 : i32
      %dma_start3A_30 = tpu.memref_slice %arg8[%add3A_6, %dma_start3A] : memref<10240x128xf32, #tpu.memory_space<vmem_shared>> -> memref<128x128xf32, #tpu.memory_space<vmem_shared>>
      tpu.enqueue_dma source(%arg3 : memref<128x128xf32, #tpu.memory_space<hbm>>) target(%dma_start3A_30 : memref<128x128xf32, #tpu.memory_space<vmem_shared>>) target_semaphore(%run_scoped3A : memref<!tpu.dma_semaphore, #tpu.memory_space<semaphore_mem>>)
      %dma_wait3A = arith.constant 0 : i32
      %dma_wait3A_31 = tpu.memref_slice %arg8[%add3A_6, %dma_wait3A] : memref<10240x128xf32, #tpu.memory_space<vmem_shared>> -> memref<128x128xf32, #tpu.memory_space<vmem_shared>>
      tpu.wait_dma2 semaphore(%run_scoped3A : memref<!tpu.dma_semaphore, #tpu.memory_space<semaphore_mem>>) src(%arg3 : memref<128x128xf32, #tpu.memory_space<hbm>>) dst(%dma_wait3A_31 : memref<128x128xf32, #tpu.memory_space<vmem_shared>>)
      tpu.yield
    }) : () -> ()
    %add3A_7 = arith.constant 256 : i32
    %add3A_8 = arith.addi %mul3A_2, %add3A_7 : i32
    "tpu.region"() ({
      %run_scoped3A = tpu.sem_alloc : memref<!tpu.dma_semaphore, #tpu.memory_space<semaphore_mem>>
      %dma_start3A = arith.constant 0 : i32
      %dma_start3A_30 = tpu.memref_slice %arg8[%add3A_8, %dma_start3A] : memref<10240x128xf32, #tpu.memory_space<vmem_shared>> -> memref<128x128xf32, #tpu.memory_space<vmem_shared>>
      tpu.enqueue_dma source(%arg3 : memref<128x128xf32, #tpu.memory_space<hbm>>) target(%dma_start3A_30 : memref<128x128xf32, #tpu.memory_space<vmem_shared>>) target_semaphore(%run_scoped3A : memref<!tpu.dma_semaphore, #tpu.memory_space<semaphore_mem>>)
      %dma_wait3A = arith.constant 0 : i32
      %dma_wait3A_31 = tpu.memref_slice %arg8[%add3A_8, %dma_wait3A] : memref<10240x128xf32, #tpu.memory_space<vmem_shared>> -> memref<128x128xf32, #tpu.memory_space<vmem_shared>>
      tpu.wait_dma2 semaphore(%run_scoped3A : memref<!tpu.dma_semaphore, #tpu.memory_space<semaphore_mem>>) src(%arg3 : memref<128x128xf32, #tpu.memory_space<hbm>>) dst(%dma_wait3A_31 : memref<128x128xf32, #tpu.memory_space<vmem_shared>>)
      tpu.yield
    }) : () -> ()
    %add3A_9 = arith.constant 384 : i32
    %add3A_10 = arith.addi %mul3A_2, %add3A_9 : i32
    "tpu.region"() ({
      %run_scoped3A = tpu.sem_alloc : memref<!tpu.dma_semaphore, #tpu.memory_space<semaphore_mem>>
      %dma_start3A = arith.constant 0 : i32
      %dma_start3A_30 = tpu.memref_slice %arg8[%add3A_10, %dma_start3A] : memref<10240x128xf32, #tpu.memory_space<vmem_shared>> -> memref<128x128xf32, #tpu.memory_space<vmem_shared>>
      tpu.enqueue_dma source(%arg3 : memref<128x128xf32, #tpu.memory_space<hbm>>) target(%dma_start3A_30 : memref<128x128xf32, #tpu.memory_space<vmem_shared>>) target_semaphore(%run_scoped3A : memref<!tpu.dma_semaphore, #tpu.memory_space<semaphore_mem>>)
      %dma_wait3A = arith.constant 0 : i32
      %dma_wait3A_31 = tpu.memref_slice %arg8[%add3A_10, %dma_wait3A] : memref<10240x128xf32, #tpu.memory_space<vmem_shared>> -> memref<128x128xf32, #tpu.memory_space<vmem_shared>>
      tpu.wait_dma2 semaphore(%run_scoped3A : memref<!tpu.dma_semaphore, #tpu.memory_space<semaphore_mem>>) src(%arg3 : memref<128x128xf32, #tpu.memory_space<hbm>>) dst(%dma_wait3A_31 : memref<128x128xf32, #tpu.memory_space<vmem_shared>>)
      tpu.yield
    }) : () -> ()
    %add3A_11 = arith.constant 512 : i32
    %add3A_12 = arith.addi %mul3A_2, %add3A_11 : i32
    "tpu.region"() ({
      %run_scoped3A = tpu.sem_alloc : memref<!tpu.dma_semaphore, #tpu.memory_space<semaphore_mem>>
      %dma_start3A = arith.constant 0 : i32
      %dma_start3A_30 = tpu.memref_slice %arg8[%add3A_12, %dma_start3A] : memref<10240x128xf32, #tpu.memory_space<vmem_shared>> -> memref<128x128xf32, #tpu.memory_space<vmem_shared>>
      tpu.enqueue_dma source(%arg3 : memref<128x128xf32, #tpu.memory_space<hbm>>) target(%dma_start3A_30 : memref<128x128xf32, #tpu.memory_space<vmem_shared>>) target_semaphore(%run_scoped3A : memref<!tpu.dma_semaphore, #tpu.memory_space<semaphore_mem>>)
      %dma_wait3A = arith.constant 0 : i32
      %dma_wait3A_31 = tpu.memref_slice %arg8[%add3A_12, %dma_wait3A] : memref<10240x128xf32, #tpu.memory_space<vmem_shared>> -> memref<128x128xf32, #tpu.memory_space<vmem_shared>>
      tpu.wait_dma2 semaphore(%run_scoped3A : memref<!tpu.dma_semaphore, #tpu.memory_space<semaphore_mem>>) src(%arg3 : memref<128x128xf32, #tpu.memory_space<hbm>>) dst(%dma_wait3A_31 : memref<128x128xf32, #tpu.memory_space<vmem_shared>>)
      tpu.yield
    }) : () -> ()
    %barrier3A = arith.constant 0 : index
    tpu.barrier barrier_id(%barrier3A)
    %mul3A_13 = arith.constant 80 : i32
    %mul3A_14 = arith.muli %add3A, %mul3A_13 : i32
    "tpu.region"() ({
      %run_scoped3A = tpu.sem_alloc : memref<!tpu.dma_semaphore, #tpu.memory_space<semaphore_mem>>
      %dma_start3A = arith.constant 0 : i32
      %dma_start3A_30 = tpu.memref_slice %arg2[%mul3A_14, %dma_start3A] : memref<2560x125xi32, #tpu.memory_space<hbm>> -> memref<80x125xi32, #tpu.memory_space<hbm>>
      %dma_start3A_31 = arith.constant 0 : i32
      %dma_start3A_32 = tpu.memref_slice %arg2[%mul3A_14, %dma_start3A_31] : memref<2560x125xi32, #tpu.memory_space<hbm>> -> memref<80x125xi32, #tpu.memory_space<hbm>>
      tpu.enqueue_dma source(%dma_start3A_32 : memref<80x125xi32, #tpu.memory_space<hbm>>) target(%arg6 : memref<80x125xi32, #tpu.memory_space<vmem>>) target_semaphore(%run_scoped3A : memref<!tpu.dma_semaphore, #tpu.memory_space<semaphore_mem>>)
      %dma_wait3A = arith.constant 0 : i32
      %dma_wait3A_33 = tpu.memref_slice %arg2[%mul3A_14, %dma_wait3A] : memref<2560x125xi32, #tpu.memory_space<hbm>> -> memref<80x125xi32, #tpu.memory_space<hbm>>
      %dma_wait3A_34 = arith.constant 0 : i32
      %dma_wait3A_35 = tpu.memref_slice %arg2[%mul3A_14, %dma_wait3A_34] : memref<2560x125xi32, #tpu.memory_space<hbm>> -> memref<80x125xi32, #tpu.memory_space<hbm>>
      tpu.wait_dma2 semaphore(%run_scoped3A : memref<!tpu.dma_semaphore, #tpu.memory_space<semaphore_mem>>) src(%dma_wait3A_35 : memref<80x125xi32, #tpu.memory_space<hbm>>) dst(%arg6 : memref<80x125xi32, #tpu.memory_space<vmem>>)
      tpu.yield
    }) : () -> ()
    %scan3A = arith.constant 0 : i32
    %scan3A_15 = arith.constant 0 : i32
    %scan3A_16 = arith.constant 80 : i32
    %scan3A_17 = arith.addi %scan3A_15, %scan3A_16 : i32
    %scan3A_18 = arith.constant 1 : i32
    scf.for %scan3A_30 = %scan3A_15 to %scan3A_17 step %scan3A_18  : i32 {
      %dma_start3A = arith.constant 0 : i32
      %dma_start3A_31 = tpu.memref_slice %arg6[%scan3A_30, %dma_start3A] : memref<80x125xi32, #tpu.memory_space<vmem>> -> memref<1x125xi32, #tpu.memory_space<vmem>>
      %dma_start3A_32 = tpu.memref_squeeze %dma_start3A_31 : memref<1x125xi32, #tpu.memory_space<vmem>> -> memref<125xi32, #tpu.memory_space<vmem>>
      %dma_start3A_33 = arith.constant 0 : i32
      %dma_start3A_34 = arith.constant 0 : i32
      %dma_start3A_35 = tpu.memref_slice %arg8[%dma_start3A_33, %dma_start3A_34] : memref<10240x128xf32, #tpu.memory_space<vmem_shared>> -> memref<10240x128xf32, #tpu.memory_space<vmem_shared>>
      tpu.enqueue_indirect_dma source(%arg7 : memref<125x128xf32, #tpu.memory_space<vmem>>) target(%dma_start3A_35 : memref<10240x128xf32, #tpu.memory_space<vmem_shared>>) offsets(%dma_start3A_32 : memref<125xi32, #tpu.memory_space<vmem>>) semaphore(%arg9 : memref<!tpu.dma_semaphore, #tpu.memory_space<semaphore_mem>>) {add = true}
    }
    %scan3A_19 = arith.constant 80 : i32
    %scan3A_20 = arith.constant 0 : i32
    %scan3A_21 = arith.constant 0 : i32
    %scan3A_22 = arith.constant 80 : i32
    %scan3A_23 = arith.addi %scan3A_21, %scan3A_22 : i32
    %scan3A_24 = arith.constant 1 : i32
    scf.for %scan3A_30 = %scan3A_21 to %scan3A_23 step %scan3A_24  : i32 {
      %dma_wait3A = arith.constant 0 : i32
      %dma_wait3A_31 = arith.constant 0 : i32
      %dma_wait3A_32 = tpu.memref_slice %arg6[%dma_wait3A, %dma_wait3A_31] : memref<80x125xi32, #tpu.memory_space<vmem>> -> memref<1x125xi32, #tpu.memory_space<vmem>>
      %dma_wait3A_33 = tpu.memref_squeeze %dma_wait3A_32 : memref<1x125xi32, #tpu.memory_space<vmem>> -> memref<125xi32, #tpu.memory_space<vmem>>
      %dma_wait3A_34 = arith.constant 0 : i32
      %dma_wait3A_35 = arith.constant 0 : i32
      %dma_wait3A_36 = tpu.memref_slice %arg8[%dma_wait3A_34, %dma_wait3A_35] : memref<10240x128xf32, #tpu.memory_space<vmem_shared>> -> memref<10240x128xf32, #tpu.memory_space<vmem_shared>>
      tpu.wait_indirect_dma semaphore(%arg9 : memref<!tpu.dma_semaphore, #tpu.memory_space<semaphore_mem>>) src(%arg7 : memref<125x128xf32, #tpu.memory_space<vmem>>) dst(%dma_wait3A_36 : memref<10240x128xf32, #tpu.memory_space<vmem_shared>>)
    }
    %scan3A_25 = arith.constant 80 : i32
    %barrier3A_26 = arith.constant 0 : index
    tpu.barrier barrier_id(%barrier3A_26)
    %mul3A_27 = arith.constant 10240 : i32
    %mul3A_28 = arith.muli %arg0, %mul3A_27 : i32
    %add3A_29 = arith.addi %mul3A_28, %mul3A_2 : i32
    "tpu.region"() ({
      %run_scoped3A = tpu.sem_alloc : memref<!tpu.dma_semaphore, #tpu.memory_space<semaphore_mem>>
      %dma_start3A = arith.constant 0 : i32
      %dma_start3A_30 = tpu.memref_slice %arg5[%add3A_29, %dma_start3A] : memref<20480x128xf32, #tpu.memory_space<hbm>> -> memref<640x128xf32, #tpu.memory_space<hbm>>
      %dma_start3A_31 = arith.constant 0 : i32
      %dma_start3A_32 = tpu.memref_slice %arg8[%mul3A_2, %dma_start3A_31] : memref<10240x128xf32, #tpu.memory_space<vmem_shared>> -> memref<640x128xf32, #tpu.memory_space<vmem_shared>>
      tpu.enqueue_dma source(%dma_start3A_32 : memref<640x128xf32, #tpu.memory_space<vmem_shared>>) target(%dma_start3A_30 : memref<640x128xf32, #tpu.memory_space<hbm>>) target_semaphore(%run_scoped3A : memref<!tpu.dma_semaphore, #tpu.memory_space<semaphore_mem>>)
      %dma_wait3A = arith.constant 0 : i32
      %dma_wait3A_33 = tpu.memref_slice %arg5[%add3A_29, %dma_wait3A] : memref<20480x128xf32, #tpu.memory_space<hbm>> -> memref<640x128xf32, #tpu.memory_space<hbm>>
      %dma_wait3A_34 = arith.constant 0 : i32
      %dma_wait3A_35 = tpu.memref_slice %arg8[%mul3A_2, %dma_wait3A_34] : memref<10240x128xf32, #tpu.memory_space<vmem_shared>> -> memref<640x128xf32, #tpu.memory_space<vmem_shared>>
      tpu.wait_dma2 semaphore(%run_scoped3A : memref<!tpu.dma_semaphore, #tpu.memory_space<semaphore_mem>>) src(%dma_wait3A_35 : memref<640x128xf32, #tpu.memory_space<vmem_shared>>) dst(%dma_wait3A_33 : memref<640x128xf32, #tpu.memory_space<hbm>>)
      tpu.yield
    }) : () -> ()
    return
  }
}

#map = affine_map<(d0, d1) -> (0, 0)>
module attributes {stable_mosaic.version = 14 : i64} {
  func.func @sc_kernel(%arg0: i32, %arg1: i32, %arg2: memref<10000x128xf32, #tpu.memory_space<hbm>>, %arg3: memref<2560x125xi32, #tpu.memory_space<hbm>>, %arg4: memref<2560x125xi32, #tpu.memory_space<hbm>>, %arg5: memref<128x128xf32, #tpu.memory_space<hbm>>, %arg6: memref<20480x128xf32, #tpu.memory_space<hbm>>, %arg7: memref<40x125xi32, #tpu.memory_space<vmem>>, %arg8: memref<40x125xi32, #tpu.memory_space<vmem>>, %arg9: memref<125x128xf32, #tpu.memory_space<vmem>>, %arg10: memref<125x128xf32, #tpu.memory_space<vmem>>, %arg11: memref<10240x128xf32, #tpu.memory_space<vmem_shared>>, %arg12: memref<!tpu.dma_semaphore, #tpu.memory_space<semaphore_mem>>, %arg13: memref<!tpu.dma_semaphore, #tpu.memory_space<semaphore_mem>>) attributes {dimension_semantics = [#tpu.dimension_semantics<core_parallel>, #tpu.dimension_semantics<subcore_parallel>], iteration_bounds = array<i64: 2, 16>, scalar_prefetch = 0 : i64, scratch_operands = 7 : i64, tpu.core_type = #tpu.core_type<sc_vector_subcore>, window_params = [{transform_indices = #map}, {transform_indices = #map}, {transform_indices = #map}, {transform_indices = #map}, {transform_indices = #map}]} {
    %mul3A = arith.constant 16 : i32
    %mul3A_0 = arith.muli %arg0, %mul3A : i32
    %add3A = arith.addi %mul3A_0, %arg1 : i32
    %mul3A_1 = arith.constant 640 : i32
    %mul3A_2 = arith.muli %arg1, %mul3A_1 : i32
    %add3A_3 = arith.constant 0 : i32
    %add3A_4 = arith.addi %mul3A_2, %add3A_3 : i32
    "tpu.region"() ({
      %run_scoped3A = tpu.sem_alloc : memref<!tpu.dma_semaphore, #tpu.memory_space<semaphore_mem>>
      %dma_start3A_49 = arith.constant 0 : i32
      %dma_start3A_50 = tpu.memref_slice %arg11[%add3A_4, %dma_start3A_49] : memref<10240x128xf32, #tpu.memory_space<vmem_shared>> -> memref<128x128xf32, #tpu.memory_space<vmem_shared>>
      tpu.enqueue_dma source(%arg5 : memref<128x128xf32, #tpu.memory_space<hbm>>) target(%dma_start3A_50 : memref<128x128xf32, #tpu.memory_space<vmem_shared>>) target_semaphore(%run_scoped3A : memref<!tpu.dma_semaphore, #tpu.memory_space<semaphore_mem>>)
      %dma_wait3A = arith.constant 0 : i32
      %dma_wait3A_51 = tpu.memref_slice %arg11[%add3A_4, %dma_wait3A] : memref<10240x128xf32, #tpu.memory_space<vmem_shared>> -> memref<128x128xf32, #tpu.memory_space<vmem_shared>>
      tpu.wait_dma2 semaphore(%run_scoped3A : memref<!tpu.dma_semaphore, #tpu.memory_space<semaphore_mem>>) src(%arg5 : memref<128x128xf32, #tpu.memory_space<hbm>>) dst(%dma_wait3A_51 : memref<128x128xf32, #tpu.memory_space<vmem_shared>>)
      tpu.yield
    }) : () -> ()
    %add3A_5 = arith.constant 128 : i32
    %add3A_6 = arith.addi %mul3A_2, %add3A_5 : i32
    "tpu.region"() ({
      %run_scoped3A = tpu.sem_alloc : memref<!tpu.dma_semaphore, #tpu.memory_space<semaphore_mem>>
      %dma_start3A_49 = arith.constant 0 : i32
      %dma_start3A_50 = tpu.memref_slice %arg11[%add3A_6, %dma_start3A_49] : memref<10240x128xf32, #tpu.memory_space<vmem_shared>> -> memref<128x128xf32, #tpu.memory_space<vmem_shared>>
      tpu.enqueue_dma source(%arg5 : memref<128x128xf32, #tpu.memory_space<hbm>>) target(%dma_start3A_50 : memref<128x128xf32, #tpu.memory_space<vmem_shared>>) target_semaphore(%run_scoped3A : memref<!tpu.dma_semaphore, #tpu.memory_space<semaphore_mem>>)
      %dma_wait3A = arith.constant 0 : i32
      %dma_wait3A_51 = tpu.memref_slice %arg11[%add3A_6, %dma_wait3A] : memref<10240x128xf32, #tpu.memory_space<vmem_shared>> -> memref<128x128xf32, #tpu.memory_space<vmem_shared>>
      tpu.wait_dma2 semaphore(%run_scoped3A : memref<!tpu.dma_semaphore, #tpu.memory_space<semaphore_mem>>) src(%arg5 : memref<128x128xf32, #tpu.memory_space<hbm>>) dst(%dma_wait3A_51 : memref<128x128xf32, #tpu.memory_space<vmem_shared>>)
      tpu.yield
    }) : () -> ()
    %add3A_7 = arith.constant 256 : i32
    %add3A_8 = arith.addi %mul3A_2, %add3A_7 : i32
    "tpu.region"() ({
      %run_scoped3A = tpu.sem_alloc : memref<!tpu.dma_semaphore, #tpu.memory_space<semaphore_mem>>
      %dma_start3A_49 = arith.constant 0 : i32
      %dma_start3A_50 = tpu.memref_slice %arg11[%add3A_8, %dma_start3A_49] : memref<10240x128xf32, #tpu.memory_space<vmem_shared>> -> memref<128x128xf32, #tpu.memory_space<vmem_shared>>
      tpu.enqueue_dma source(%arg5 : memref<128x128xf32, #tpu.memory_space<hbm>>) target(%dma_start3A_50 : memref<128x128xf32, #tpu.memory_space<vmem_shared>>) target_semaphore(%run_scoped3A : memref<!tpu.dma_semaphore, #tpu.memory_space<semaphore_mem>>)
      %dma_wait3A = arith.constant 0 : i32
      %dma_wait3A_51 = tpu.memref_slice %arg11[%add3A_8, %dma_wait3A] : memref<10240x128xf32, #tpu.memory_space<vmem_shared>> -> memref<128x128xf32, #tpu.memory_space<vmem_shared>>
      tpu.wait_dma2 semaphore(%run_scoped3A : memref<!tpu.dma_semaphore, #tpu.memory_space<semaphore_mem>>) src(%arg5 : memref<128x128xf32, #tpu.memory_space<hbm>>) dst(%dma_wait3A_51 : memref<128x128xf32, #tpu.memory_space<vmem_shared>>)
      tpu.yield
    }) : () -> ()
    %add3A_9 = arith.constant 384 : i32
    %add3A_10 = arith.addi %mul3A_2, %add3A_9 : i32
    "tpu.region"() ({
      %run_scoped3A = tpu.sem_alloc : memref<!tpu.dma_semaphore, #tpu.memory_space<semaphore_mem>>
      %dma_start3A_49 = arith.constant 0 : i32
      %dma_start3A_50 = tpu.memref_slice %arg11[%add3A_10, %dma_start3A_49] : memref<10240x128xf32, #tpu.memory_space<vmem_shared>> -> memref<128x128xf32, #tpu.memory_space<vmem_shared>>
      tpu.enqueue_dma source(%arg5 : memref<128x128xf32, #tpu.memory_space<hbm>>) target(%dma_start3A_50 : memref<128x128xf32, #tpu.memory_space<vmem_shared>>) target_semaphore(%run_scoped3A : memref<!tpu.dma_semaphore, #tpu.memory_space<semaphore_mem>>)
      %dma_wait3A = arith.constant 0 : i32
      %dma_wait3A_51 = tpu.memref_slice %arg11[%add3A_10, %dma_wait3A] : memref<10240x128xf32, #tpu.memory_space<vmem_shared>> -> memref<128x128xf32, #tpu.memory_space<vmem_shared>>
      tpu.wait_dma2 semaphore(%run_scoped3A : memref<!tpu.dma_semaphore, #tpu.memory_space<semaphore_mem>>) src(%arg5 : memref<128x128xf32, #tpu.memory_space<hbm>>) dst(%dma_wait3A_51 : memref<128x128xf32, #tpu.memory_space<vmem_shared>>)
      tpu.yield
    }) : () -> ()
    %add3A_11 = arith.constant 512 : i32
    %add3A_12 = arith.addi %mul3A_2, %add3A_11 : i32
    "tpu.region"() ({
      %run_scoped3A = tpu.sem_alloc : memref<!tpu.dma_semaphore, #tpu.memory_space<semaphore_mem>>
      %dma_start3A_49 = arith.constant 0 : i32
      %dma_start3A_50 = tpu.memref_slice %arg11[%add3A_12, %dma_start3A_49] : memref<10240x128xf32, #tpu.memory_space<vmem_shared>> -> memref<128x128xf32, #tpu.memory_space<vmem_shared>>
      tpu.enqueue_dma source(%arg5 : memref<128x128xf32, #tpu.memory_space<hbm>>) target(%dma_start3A_50 : memref<128x128xf32, #tpu.memory_space<vmem_shared>>) target_semaphore(%run_scoped3A : memref<!tpu.dma_semaphore, #tpu.memory_space<semaphore_mem>>)
      %dma_wait3A = arith.constant 0 : i32
      %dma_wait3A_51 = tpu.memref_slice %arg11[%add3A_12, %dma_wait3A] : memref<10240x128xf32, #tpu.memory_space<vmem_shared>> -> memref<128x128xf32, #tpu.memory_space<vmem_shared>>
      tpu.wait_dma2 semaphore(%run_scoped3A : memref<!tpu.dma_semaphore, #tpu.memory_space<semaphore_mem>>) src(%arg5 : memref<128x128xf32, #tpu.memory_space<hbm>>) dst(%dma_wait3A_51 : memref<128x128xf32, #tpu.memory_space<vmem_shared>>)
      tpu.yield
    }) : () -> ()
    %barrier3A = arith.constant 0 : index
    tpu.barrier barrier_id(%barrier3A)
    %mul3A_13 = arith.constant 80 : i32
    %mul3A_14 = arith.muli %add3A, %mul3A_13 : i32
    %add3A_15 = arith.constant 0 : i32
    %add3A_16 = arith.addi %mul3A_14, %add3A_15 : i32
    "tpu.region"() ({
      %run_scoped3A = tpu.sem_alloc : memref<!tpu.dma_semaphore, #tpu.memory_space<semaphore_mem>>
      %dma_start3A_49 = arith.constant 0 : i32
      %dma_start3A_50 = tpu.memref_slice %arg3[%add3A_16, %dma_start3A_49] : memref<2560x125xi32, #tpu.memory_space<hbm>> -> memref<40x125xi32, #tpu.memory_space<hbm>>
      %dma_start3A_51 = arith.constant 0 : i32
      %dma_start3A_52 = tpu.memref_slice %arg3[%add3A_16, %dma_start3A_51] : memref<2560x125xi32, #tpu.memory_space<hbm>> -> memref<40x125xi32, #tpu.memory_space<hbm>>
      tpu.enqueue_dma source(%dma_start3A_52 : memref<40x125xi32, #tpu.memory_space<hbm>>) target(%arg7 : memref<40x125xi32, #tpu.memory_space<vmem>>) target_semaphore(%run_scoped3A : memref<!tpu.dma_semaphore, #tpu.memory_space<semaphore_mem>>)
      %dma_wait3A = arith.constant 0 : i32
      %dma_wait3A_53 = tpu.memref_slice %arg3[%add3A_16, %dma_wait3A] : memref<2560x125xi32, #tpu.memory_space<hbm>> -> memref<40x125xi32, #tpu.memory_space<hbm>>
      %dma_wait3A_54 = arith.constant 0 : i32
      %dma_wait3A_55 = tpu.memref_slice %arg3[%add3A_16, %dma_wait3A_54] : memref<2560x125xi32, #tpu.memory_space<hbm>> -> memref<40x125xi32, #tpu.memory_space<hbm>>
      tpu.wait_dma2 semaphore(%run_scoped3A : memref<!tpu.dma_semaphore, #tpu.memory_space<semaphore_mem>>) src(%dma_wait3A_55 : memref<40x125xi32, #tpu.memory_space<hbm>>) dst(%arg7 : memref<40x125xi32, #tpu.memory_space<vmem>>)
      tpu.yield
    }) : () -> ()
    "tpu.region"() ({
      %run_scoped3A = tpu.sem_alloc : memref<!tpu.dma_semaphore, #tpu.memory_space<semaphore_mem>>
      %dma_start3A_49 = arith.constant 0 : i32
      %dma_start3A_50 = tpu.memref_slice %arg4[%add3A_16, %dma_start3A_49] : memref<2560x125xi32, #tpu.memory_space<hbm>> -> memref<40x125xi32, #tpu.memory_space<hbm>>
      %dma_start3A_51 = arith.constant 0 : i32
      %dma_start3A_52 = tpu.memref_slice %arg4[%add3A_16, %dma_start3A_51] : memref<2560x125xi32, #tpu.memory_space<hbm>> -> memref<40x125xi32, #tpu.memory_space<hbm>>
      tpu.enqueue_dma source(%dma_start3A_52 : memref<40x125xi32, #tpu.memory_space<hbm>>) target(%arg8 : memref<40x125xi32, #tpu.memory_space<vmem>>) target_semaphore(%run_scoped3A : memref<!tpu.dma_semaphore, #tpu.memory_space<semaphore_mem>>)
      %dma_wait3A = arith.constant 0 : i32
      %dma_wait3A_53 = tpu.memref_slice %arg4[%add3A_16, %dma_wait3A] : memref<2560x125xi32, #tpu.memory_space<hbm>> -> memref<40x125xi32, #tpu.memory_space<hbm>>
      %dma_wait3A_54 = arith.constant 0 : i32
      %dma_wait3A_55 = tpu.memref_slice %arg4[%add3A_16, %dma_wait3A_54] : memref<2560x125xi32, #tpu.memory_space<hbm>> -> memref<40x125xi32, #tpu.memory_space<hbm>>
      tpu.wait_dma2 semaphore(%run_scoped3A : memref<!tpu.dma_semaphore, #tpu.memory_space<semaphore_mem>>) src(%dma_wait3A_55 : memref<40x125xi32, #tpu.memory_space<hbm>>) dst(%arg8 : memref<40x125xi32, #tpu.memory_space<vmem>>)
      tpu.yield
    }) : () -> ()
    %dma_start3A = arith.constant 0 : i32
    %dma_start3A_17 = arith.constant 0 : i32
    %dma_start3A_18 = tpu.memref_slice %arg7[%dma_start3A, %dma_start3A_17] : memref<40x125xi32, #tpu.memory_space<vmem>> -> memref<1x125xi32, #tpu.memory_space<vmem>>
    %dma_start3A_19 = tpu.memref_squeeze %dma_start3A_18 : memref<1x125xi32, #tpu.memory_space<vmem>> -> memref<125xi32, #tpu.memory_space<vmem>>
    %dma_start3A_20 = arith.constant 0 : i32
    %dma_start3A_21 = arith.constant 0 : i32
    %dma_start3A_22 = tpu.memref_slice %arg2[%dma_start3A_20, %dma_start3A_21] : memref<10000x128xf32, #tpu.memory_space<hbm>> -> memref<10000x128xf32, #tpu.memory_space<hbm>>
    tpu.enqueue_indirect_dma source(%dma_start3A_22 : memref<10000x128xf32, #tpu.memory_space<hbm>>) target(%arg9 : memref<125x128xf32, #tpu.memory_space<vmem>>) offsets(%dma_start3A_19 : memref<125xi32, #tpu.memory_space<vmem>>) semaphore(%arg12 : memref<!tpu.dma_semaphore, #tpu.memory_space<semaphore_mem>>)
    %scan3A = arith.constant 0 : i32
    %scan3A_23 = arith.constant 0 : i32
    %scan3A_24 = arith.constant 40 : i32
    %scan3A_25 = arith.addi %scan3A_23, %scan3A_24 : i32
    %scan3A_26 = arith.constant 1 : i32
    scf.for %scan3A_49 = %scan3A_23 to %scan3A_25 step %scan3A_26  : i32 {
      %jit3A = arith.constant 2 : i32
      %eq3A = arith.constant 0 : i32
      %eq3A_50 = arith.cmpi eq, %jit3A, %eq3A : i32
      %jit3A_51 = arith.constant 1 : i32
      %select_n3A = arith.select %eq3A_50, %jit3A_51, %jit3A : i32
      %rem3A = arith.remsi %scan3A_49, %select_n3A : i32
      %ne3A = arith.constant 0 : i32
      %ne3A_52 = arith.cmpi ne, %rem3A, %ne3A : i32
      %lt3A = arith.constant 0 : i32
      %lt3A_53 = arith.cmpi slt, %rem3A, %lt3A : i32
      %lt3A_54 = arith.constant 0 : i32
      %lt3A_55 = arith.cmpi slt, %select_n3A, %lt3A_54 : i32
      %ne3A_56 = arith.xori %lt3A_53, %lt3A_55 : i1
      %and3A = arith.andi %ne3A_56, %ne3A_52 : i1
      %add3A_57 = arith.addi %rem3A, %select_n3A : i32
      %select_n3A_58 = arith.select %and3A, %add3A_57, %rem3A : i32
      %eq3A_59 = arith.constant 0 : i32
      %eq3A_60 = arith.cmpi eq, %select_n3A_58, %eq3A_59 : i32
      %convert_element_type3A = arith.extui %eq3A_60 : i1 to i32
      %cond3A = arith.constant 0 : i32
      %cond3A_61 = arith.cmpi ne, %convert_element_type3A, %cond3A : i32
      scf.if %cond3A_61 {
        %dma_wait3A = arith.constant 0 : i32
        %dma_wait3A_83 = tpu.memref_slice %arg7[%scan3A_49, %dma_wait3A] : memref<40x125xi32, #tpu.memory_space<vmem>> -> memref<1x125xi32, #tpu.memory_space<vmem>>
        %dma_wait3A_84 = tpu.memref_squeeze %dma_wait3A_83 : memref<1x125xi32, #tpu.memory_space<vmem>> -> memref<125xi32, #tpu.memory_space<vmem>>
        %dma_wait3A_85 = arith.constant 0 : i32
        %dma_wait3A_86 = arith.constant 0 : i32
        %dma_wait3A_87 = tpu.memref_slice %arg2[%dma_wait3A_85, %dma_wait3A_86] : memref<10000x128xf32, #tpu.memory_space<hbm>> -> memref<10000x128xf32, #tpu.memory_space<hbm>>
        tpu.wait_indirect_dma semaphore(%arg12 : memref<!tpu.dma_semaphore, #tpu.memory_space<semaphore_mem>>) src(%dma_wait3A_87 : memref<10000x128xf32, #tpu.memory_space<hbm>>) dst(%arg9 : memref<125x128xf32, #tpu.memory_space<vmem>>)
        %add3A_88 = arith.constant 1 : i32
        %add3A_89 = arith.addi %scan3A_49, %add3A_88 : i32
        %lt3A_90 = arith.constant 40 : i32
        %lt3A_91 = arith.cmpi slt, %add3A_89, %lt3A_90 : i32
        %convert_element_type3A_92 = arith.extui %lt3A_91 : i1 to i32
        %cond3A_93 = arith.constant 0 : i32
        %cond3A_94 = arith.cmpi ne, %convert_element_type3A_92, %cond3A_93 : i32
        scf.if %cond3A_94 {
          %add3A_95 = arith.constant 1 : i32
          %add3A_96 = arith.addi %scan3A_49, %add3A_95 : i32
          %dma_start3A_97 = arith.constant 0 : i32
          %dma_start3A_98 = tpu.memref_slice %arg7[%add3A_96, %dma_start3A_97] : memref<40x125xi32, #tpu.memory_space<vmem>> -> memref<1x125xi32, #tpu.memory_space<vmem>>
          %dma_start3A_99 = tpu.memref_squeeze %dma_start3A_98 : memref<1x125xi32, #tpu.memory_space<vmem>> -> memref<125xi32, #tpu.memory_space<vmem>>
          %dma_start3A_100 = arith.constant 0 : i32
          %dma_start3A_101 = arith.constant 0 : i32
          %dma_start3A_102 = tpu.memref_slice %arg2[%dma_start3A_100, %dma_start3A_101] : memref<10000x128xf32, #tpu.memory_space<hbm>> -> memref<10000x128xf32, #tpu.memory_space<hbm>>
          tpu.enqueue_indirect_dma source(%dma_start3A_102 : memref<10000x128xf32, #tpu.memory_space<hbm>>) target(%arg10 : memref<125x128xf32, #tpu.memory_space<vmem>>) offsets(%dma_start3A_99 : memref<125xi32, #tpu.memory_space<vmem>>) semaphore(%arg13 : memref<!tpu.dma_semaphore, #tpu.memory_space<semaphore_mem>>)
        } else {
        }
        "tpu.region"() ({
          %run_scoped3A = tpu.sem_alloc : memref<!tpu.dma_semaphore, #tpu.memory_space<semaphore_mem>>
          %dma_start3A_95 = arith.constant 0 : i32
          %dma_start3A_96 = tpu.memref_slice %arg8[%scan3A_49, %dma_start3A_95] : memref<40x125xi32, #tpu.memory_space<vmem>> -> memref<1x125xi32, #tpu.memory_space<vmem>>
          %dma_start3A_97 = tpu.memref_squeeze %dma_start3A_96 : memref<1x125xi32, #tpu.memory_space<vmem>> -> memref<125xi32, #tpu.memory_space<vmem>>
          %dma_start3A_98 = arith.constant 0 : i32
          %dma_start3A_99 = arith.constant 0 : i32
          %dma_start3A_100 = tpu.memref_slice %arg11[%dma_start3A_98, %dma_start3A_99] : memref<10240x128xf32, #tpu.memory_space<vmem_shared>> -> memref<10240x128xf32, #tpu.memory_space<vmem_shared>>
          tpu.enqueue_indirect_dma source(%arg9 : memref<125x128xf32, #tpu.memory_space<vmem>>) target(%dma_start3A_100 : memref<10240x128xf32, #tpu.memory_space<vmem_shared>>) offsets(%dma_start3A_97 : memref<125xi32, #tpu.memory_space<vmem>>) semaphore(%run_scoped3A : memref<!tpu.dma_semaphore, #tpu.memory_space<semaphore_mem>>) {add = true}
          %dma_wait3A_101 = arith.constant 0 : i32
          %dma_wait3A_102 = tpu.memref_slice %arg8[%scan3A_49, %dma_wait3A_101] : memref<40x125xi32, #tpu.memory_space<vmem>> -> memref<1x125xi32, #tpu.memory_space<vmem>>
          %dma_wait3A_103 = tpu.memref_squeeze %dma_wait3A_102 : memref<1x125xi32, #tpu.memory_space<vmem>> -> memref<125xi32, #tpu.memory_space<vmem>>
          %dma_wait3A_104 = arith.constant 0 : i32
          %dma_wait3A_105 = arith.constant 0 : i32
          %dma_wait3A_106 = tpu.memref_slice %arg11[%dma_wait3A_104, %dma_wait3A_105] : memref<10240x128xf32, #tpu.memory_space<vmem_shared>> -> memref<10240x128xf32, #tpu.memory_space<vmem_shared>>
          tpu.wait_indirect_dma semaphore(%run_scoped3A : memref<!tpu.dma_semaphore, #tpu.memory_space<semaphore_mem>>) src(%arg9 : memref<125x128xf32, #tpu.memory_space<vmem>>) dst(%dma_wait3A_106 : memref<10240x128xf32, #tpu.memory_space<vmem_shared>>)
          tpu.yield
        }) : () -> ()
      } else {
      }
      %jit3A_62 = arith.constant 2 : i32
      %eq3A_63 = arith.constant 0 : i32
      %eq3A_64 = arith.cmpi eq, %jit3A_62, %eq3A_63 : i32
      %jit3A_65 = arith.constant 1 : i32
      %select_n3A_66 = arith.select %eq3A_64, %jit3A_65, %jit3A_62 : i32
      %rem3A_67 = arith.remsi %scan3A_49, %select_n3A_66 : i32
      %ne3A_68 = arith.constant 0 : i32
      %ne3A_69 = arith.cmpi ne, %rem3A_67, %ne3A_68 : i32
      %lt3A_70 = arith.constant 0 : i32
      %lt3A_71 = arith.cmpi slt, %rem3A_67, %lt3A_70 : i32
      %lt3A_72 = arith.constant 0 : i32
      %lt3A_73 = arith.cmpi slt, %select_n3A_66, %lt3A_72 : i32
      %ne3A_74 = arith.xori %lt3A_71, %lt3A_73 : i1
      %and3A_75 = arith.andi %ne3A_74, %ne3A_69 : i1
      %add3A_76 = arith.addi %rem3A_67, %select_n3A_66 : i32
      %select_n3A_77 = arith.select %and3A_75, %add3A_76, %rem3A_67 : i32
      %eq3A_78 = arith.constant 1 : i32
      %eq3A_79 = arith.cmpi eq, %select_n3A_77, %eq3A_78 : i32
      %convert_element_type3A_80 = arith.extui %eq3A_79 : i1 to i32
      %cond3A_81 = arith.constant 0 : i32
      %cond3A_82 = arith.cmpi ne, %convert_element_type3A_80, %cond3A_81 : i32
      scf.if %cond3A_82 {
        %dma_wait3A = arith.constant 0 : i32
        %dma_wait3A_83 = tpu.memref_slice %arg7[%scan3A_49, %dma_wait3A] : memref<40x125xi32, #tpu.memory_space<vmem>> -> memref<1x125xi32, #tpu.memory_space<vmem>>
        %dma_wait3A_84 = tpu.memref_squeeze %dma_wait3A_83 : memref<1x125xi32, #tpu.memory_space<vmem>> -> memref<125xi32, #tpu.memory_space<vmem>>
        %dma_wait3A_85 = arith.constant 0 : i32
        %dma_wait3A_86 = arith.constant 0 : i32
        %dma_wait3A_87 = tpu.memref_slice %arg2[%dma_wait3A_85, %dma_wait3A_86] : memref<10000x128xf32, #tpu.memory_space<hbm>> -> memref<10000x128xf32, #tpu.memory_space<hbm>>
        tpu.wait_indirect_dma semaphore(%arg13 : memref<!tpu.dma_semaphore, #tpu.memory_space<semaphore_mem>>) src(%dma_wait3A_87 : memref<10000x128xf32, #tpu.memory_space<hbm>>) dst(%arg10 : memref<125x128xf32, #tpu.memory_space<vmem>>)
        %add3A_88 = arith.constant 1 : i32
        %add3A_89 = arith.addi %scan3A_49, %add3A_88 : i32
        %lt3A_90 = arith.constant 40 : i32
        %lt3A_91 = arith.cmpi slt, %add3A_89, %lt3A_90 : i32
        %convert_element_type3A_92 = arith.extui %lt3A_91 : i1 to i32
        %cond3A_93 = arith.constant 0 : i32
        %cond3A_94 = arith.cmpi ne, %convert_element_type3A_92, %cond3A_93 : i32
        scf.if %cond3A_94 {
          %add3A_95 = arith.constant 1 : i32
          %add3A_96 = arith.addi %scan3A_49, %add3A_95 : i32
          %dma_start3A_97 = arith.constant 0 : i32
          %dma_start3A_98 = tpu.memref_slice %arg7[%add3A_96, %dma_start3A_97] : memref<40x125xi32, #tpu.memory_space<vmem>> -> memref<1x125xi32, #tpu.memory_space<vmem>>
          %dma_start3A_99 = tpu.memref_squeeze %dma_start3A_98 : memref<1x125xi32, #tpu.memory_space<vmem>> -> memref<125xi32, #tpu.memory_space<vmem>>
          %dma_start3A_100 = arith.constant 0 : i32
          %dma_start3A_101 = arith.constant 0 : i32
          %dma_start3A_102 = tpu.memref_slice %arg2[%dma_start3A_100, %dma_start3A_101] : memref<10000x128xf32, #tpu.memory_space<hbm>> -> memref<10000x128xf32, #tpu.memory_space<hbm>>
          tpu.enqueue_indirect_dma source(%dma_start3A_102 : memref<10000x128xf32, #tpu.memory_space<hbm>>) target(%arg9 : memref<125x128xf32, #tpu.memory_space<vmem>>) offsets(%dma_start3A_99 : memref<125xi32, #tpu.memory_space<vmem>>) semaphore(%arg12 : memref<!tpu.dma_semaphore, #tpu.memory_space<semaphore_mem>>)
        } else {
        }
        "tpu.region"() ({
          %run_scoped3A = tpu.sem_alloc : memref<!tpu.dma_semaphore, #tpu.memory_space<semaphore_mem>>
          %dma_start3A_95 = arith.constant 0 : i32
          %dma_start3A_96 = tpu.memref_slice %arg8[%scan3A_49, %dma_start3A_95] : memref<40x125xi32, #tpu.memory_space<vmem>> -> memref<1x125xi32, #tpu.memory_space<vmem>>
          %dma_start3A_97 = tpu.memref_squeeze %dma_start3A_96 : memref<1x125xi32, #tpu.memory_space<vmem>> -> memref<125xi32, #tpu.memory_space<vmem>>
          %dma_start3A_98 = arith.constant 0 : i32
          %dma_start3A_99 = arith.constant 0 : i32
          %dma_start3A_100 = tpu.memref_slice %arg11[%dma_start3A_98, %dma_start3A_99] : memref<10240x128xf32, #tpu.memory_space<vmem_shared>> -> memref<10240x128xf32, #tpu.memory_space<vmem_shared>>
          tpu.enqueue_indirect_dma source(%arg10 : memref<125x128xf32, #tpu.memory_space<vmem>>) target(%dma_start3A_100 : memref<10240x128xf32, #tpu.memory_space<vmem_shared>>) offsets(%dma_start3A_97 : memref<125xi32, #tpu.memory_space<vmem>>) semaphore(%run_scoped3A : memref<!tpu.dma_semaphore, #tpu.memory_space<semaphore_mem>>) {add = true}
          %dma_wait3A_101 = arith.constant 0 : i32
          %dma_wait3A_102 = tpu.memref_slice %arg8[%scan3A_49, %dma_wait3A_101] : memref<40x125xi32, #tpu.memory_space<vmem>> -> memref<1x125xi32, #tpu.memory_space<vmem>>
          %dma_wait3A_103 = tpu.memref_squeeze %dma_wait3A_102 : memref<1x125xi32, #tpu.memory_space<vmem>> -> memref<125xi32, #tpu.memory_space<vmem>>
          %dma_wait3A_104 = arith.constant 0 : i32
          %dma_wait3A_105 = arith.constant 0 : i32
          %dma_wait3A_106 = tpu.memref_slice %arg11[%dma_wait3A_104, %dma_wait3A_105] : memref<10240x128xf32, #tpu.memory_space<vmem_shared>> -> memref<10240x128xf32, #tpu.memory_space<vmem_shared>>
          tpu.wait_indirect_dma semaphore(%run_scoped3A : memref<!tpu.dma_semaphore, #tpu.memory_space<semaphore_mem>>) src(%arg10 : memref<125x128xf32, #tpu.memory_space<vmem>>) dst(%dma_wait3A_106 : memref<10240x128xf32, #tpu.memory_space<vmem_shared>>)
          tpu.yield
        }) : () -> ()
      } else {
      }
    }
    %scan3A_27 = arith.constant 40 : i32
    %mul3A_28 = arith.constant 80 : i32
    %mul3A_29 = arith.muli %add3A, %mul3A_28 : i32
    %add3A_30 = arith.constant 40 : i32
    %add3A_31 = arith.addi %mul3A_29, %add3A_30 : i32
    "tpu.region"() ({
      %run_scoped3A = tpu.sem_alloc : memref<!tpu.dma_semaphore, #tpu.memory_space<semaphore_mem>>
      %dma_start3A_49 = arith.constant 0 : i32
      %dma_start3A_50 = tpu.memref_slice %arg3[%add3A_31, %dma_start3A_49] : memref<2560x125xi32, #tpu.memory_space<hbm>> -> memref<40x125xi32, #tpu.memory_space<hbm>>
      %dma_start3A_51 = arith.constant 0 : i32
      %dma_start3A_52 = tpu.memref_slice %arg3[%add3A_31, %dma_start3A_51] : memref<2560x125xi32, #tpu.memory_space<hbm>> -> memref<40x125xi32, #tpu.memory_space<hbm>>
      tpu.enqueue_dma source(%dma_start3A_52 : memref<40x125xi32, #tpu.memory_space<hbm>>) target(%arg7 : memref<40x125xi32, #tpu.memory_space<vmem>>) target_semaphore(%run_scoped3A : memref<!tpu.dma_semaphore, #tpu.memory_space<semaphore_mem>>)
      %dma_wait3A = arith.constant 0 : i32
      %dma_wait3A_53 = tpu.memref_slice %arg3[%add3A_31, %dma_wait3A] : memref<2560x125xi32, #tpu.memory_space<hbm>> -> memref<40x125xi32, #tpu.memory_space<hbm>>
      %dma_wait3A_54 = arith.constant 0 : i32
      %dma_wait3A_55 = tpu.memref_slice %arg3[%add3A_31, %dma_wait3A_54] : memref<2560x125xi32, #tpu.memory_space<hbm>> -> memref<40x125xi32, #tpu.memory_space<hbm>>
      tpu.wait_dma2 semaphore(%run_scoped3A : memref<!tpu.dma_semaphore, #tpu.memory_space<semaphore_mem>>) src(%dma_wait3A_55 : memref<40x125xi32, #tpu.memory_space<hbm>>) dst(%arg7 : memref<40x125xi32, #tpu.memory_space<vmem>>)
      tpu.yield
    }) : () -> ()
    "tpu.region"() ({
      %run_scoped3A = tpu.sem_alloc : memref<!tpu.dma_semaphore, #tpu.memory_space<semaphore_mem>>
      %dma_start3A_49 = arith.constant 0 : i32
      %dma_start3A_50 = tpu.memref_slice %arg4[%add3A_31, %dma_start3A_49] : memref<2560x125xi32, #tpu.memory_space<hbm>> -> memref<40x125xi32, #tpu.memory_space<hbm>>
      %dma_start3A_51 = arith.constant 0 : i32
      %dma_start3A_52 = tpu.memref_slice %arg4[%add3A_31, %dma_start3A_51] : memref<2560x125xi32, #tpu.memory_space<hbm>> -> memref<40x125xi32, #tpu.memory_space<hbm>>
      tpu.enqueue_dma source(%dma_start3A_52 : memref<40x125xi32, #tpu.memory_space<hbm>>) target(%arg8 : memref<40x125xi32, #tpu.memory_space<vmem>>) target_semaphore(%run_scoped3A : memref<!tpu.dma_semaphore, #tpu.memory_space<semaphore_mem>>)
      %dma_wait3A = arith.constant 0 : i32
      %dma_wait3A_53 = tpu.memref_slice %arg4[%add3A_31, %dma_wait3A] : memref<2560x125xi32, #tpu.memory_space<hbm>> -> memref<40x125xi32, #tpu.memory_space<hbm>>
      %dma_wait3A_54 = arith.constant 0 : i32
      %dma_wait3A_55 = tpu.memref_slice %arg4[%add3A_31, %dma_wait3A_54] : memref<2560x125xi32, #tpu.memory_space<hbm>> -> memref<40x125xi32, #tpu.memory_space<hbm>>
      tpu.wait_dma2 semaphore(%run_scoped3A : memref<!tpu.dma_semaphore, #tpu.memory_space<semaphore_mem>>) src(%dma_wait3A_55 : memref<40x125xi32, #tpu.memory_space<hbm>>) dst(%arg8 : memref<40x125xi32, #tpu.memory_space<vmem>>)
      tpu.yield
    }) : () -> ()
    %dma_start3A_32 = arith.constant 0 : i32
    %dma_start3A_33 = arith.constant 0 : i32
    %dma_start3A_34 = tpu.memref_slice %arg7[%dma_start3A_32, %dma_start3A_33] : memref<40x125xi32, #tpu.memory_space<vmem>> -> memref<1x125xi32, #tpu.memory_space<vmem>>
    %dma_start3A_35 = tpu.memref_squeeze %dma_start3A_34 : memref<1x125xi32, #tpu.memory_space<vmem>> -> memref<125xi32, #tpu.memory_space<vmem>>
    %dma_start3A_36 = arith.constant 0 : i32
    %dma_start3A_37 = arith.constant 0 : i32
    %dma_start3A_38 = tpu.memref_slice %arg2[%dma_start3A_36, %dma_start3A_37] : memref<10000x128xf32, #tpu.memory_space<hbm>> -> memref<10000x128xf32, #tpu.memory_space<hbm>>
    tpu.enqueue_indirect_dma source(%dma_start3A_38 : memref<10000x128xf32, #tpu.memory_space<hbm>>) target(%arg9 : memref<125x128xf32, #tpu.memory_space<vmem>>) offsets(%dma_start3A_35 : memref<125xi32, #tpu.memory_space<vmem>>) semaphore(%arg12 : memref<!tpu.dma_semaphore, #tpu.memory_space<semaphore_mem>>)
    %scan3A_39 = arith.constant 0 : i32
    %scan3A_40 = arith.constant 0 : i32
    %scan3A_41 = arith.constant 40 : i32
    %scan3A_42 = arith.addi %scan3A_40, %scan3A_41 : i32
    %scan3A_43 = arith.constant 1 : i32
    scf.for %scan3A_49 = %scan3A_40 to %scan3A_42 step %scan3A_43  : i32 {
      %jit3A = arith.constant 2 : i32
      %eq3A = arith.constant 0 : i32
      %eq3A_50 = arith.cmpi eq, %jit3A, %eq3A : i32
      %jit3A_51 = arith.constant 1 : i32
      %select_n3A = arith.select %eq3A_50, %jit3A_51, %jit3A : i32
      %rem3A = arith.remsi %scan3A_49, %select_n3A : i32
      %ne3A = arith.constant 0 : i32
      %ne3A_52 = arith.cmpi ne, %rem3A, %ne3A : i32
      %lt3A = arith.constant 0 : i32
      %lt3A_53 = arith.cmpi slt, %rem3A, %lt3A : i32
      %lt3A_54 = arith.constant 0 : i32
      %lt3A_55 = arith.cmpi slt, %select_n3A, %lt3A_54 : i32
      %ne3A_56 = arith.xori %lt3A_53, %lt3A_55 : i1
      %and3A = arith.andi %ne3A_56, %ne3A_52 : i1
      %add3A_57 = arith.addi %rem3A, %select_n3A : i32
      %select_n3A_58 = arith.select %and3A, %add3A_57, %rem3A : i32
      %eq3A_59 = arith.constant 0 : i32
      %eq3A_60 = arith.cmpi eq, %select_n3A_58, %eq3A_59 : i32
      %convert_element_type3A = arith.extui %eq3A_60 : i1 to i32
      %cond3A = arith.constant 0 : i32
      %cond3A_61 = arith.cmpi ne, %convert_element_type3A, %cond3A : i32
      scf.if %cond3A_61 {
        %dma_wait3A = arith.constant 0 : i32
        %dma_wait3A_83 = tpu.memref_slice %arg7[%scan3A_49, %dma_wait3A] : memref<40x125xi32, #tpu.memory_space<vmem>> -> memref<1x125xi32, #tpu.memory_space<vmem>>
        %dma_wait3A_84 = tpu.memref_squeeze %dma_wait3A_83 : memref<1x125xi32, #tpu.memory_space<vmem>> -> memref<125xi32, #tpu.memory_space<vmem>>
        %dma_wait3A_85 = arith.constant 0 : i32
        %dma_wait3A_86 = arith.constant 0 : i32
        %dma_wait3A_87 = tpu.memref_slice %arg2[%dma_wait3A_85, %dma_wait3A_86] : memref<10000x128xf32, #tpu.memory_space<hbm>> -> memref<10000x128xf32, #tpu.memory_space<hbm>>
        tpu.wait_indirect_dma semaphore(%arg12 : memref<!tpu.dma_semaphore, #tpu.memory_space<semaphore_mem>>) src(%dma_wait3A_87 : memref<10000x128xf32, #tpu.memory_space<hbm>>) dst(%arg9 : memref<125x128xf32, #tpu.memory_space<vmem>>)
        %add3A_88 = arith.constant 1 : i32
        %add3A_89 = arith.addi %scan3A_49, %add3A_88 : i32
        %lt3A_90 = arith.constant 40 : i32
        %lt3A_91 = arith.cmpi slt, %add3A_89, %lt3A_90 : i32
        %convert_element_type3A_92 = arith.extui %lt3A_91 : i1 to i32
        %cond3A_93 = arith.constant 0 : i32
        %cond3A_94 = arith.cmpi ne, %convert_element_type3A_92, %cond3A_93 : i32
        scf.if %cond3A_94 {
          %add3A_95 = arith.constant 1 : i32
          %add3A_96 = arith.addi %scan3A_49, %add3A_95 : i32
          %dma_start3A_97 = arith.constant 0 : i32
          %dma_start3A_98 = tpu.memref_slice %arg7[%add3A_96, %dma_start3A_97] : memref<40x125xi32, #tpu.memory_space<vmem>> -> memref<1x125xi32, #tpu.memory_space<vmem>>
          %dma_start3A_99 = tpu.memref_squeeze %dma_start3A_98 : memref<1x125xi32, #tpu.memory_space<vmem>> -> memref<125xi32, #tpu.memory_space<vmem>>
          %dma_start3A_100 = arith.constant 0 : i32
          %dma_start3A_101 = arith.constant 0 : i32
          %dma_start3A_102 = tpu.memref_slice %arg2[%dma_start3A_100, %dma_start3A_101] : memref<10000x128xf32, #tpu.memory_space<hbm>> -> memref<10000x128xf32, #tpu.memory_space<hbm>>
          tpu.enqueue_indirect_dma source(%dma_start3A_102 : memref<10000x128xf32, #tpu.memory_space<hbm>>) target(%arg10 : memref<125x128xf32, #tpu.memory_space<vmem>>) offsets(%dma_start3A_99 : memref<125xi32, #tpu.memory_space<vmem>>) semaphore(%arg13 : memref<!tpu.dma_semaphore, #tpu.memory_space<semaphore_mem>>)
        } else {
        }
        "tpu.region"() ({
          %run_scoped3A = tpu.sem_alloc : memref<!tpu.dma_semaphore, #tpu.memory_space<semaphore_mem>>
          %dma_start3A_95 = arith.constant 0 : i32
          %dma_start3A_96 = tpu.memref_slice %arg8[%scan3A_49, %dma_start3A_95] : memref<40x125xi32, #tpu.memory_space<vmem>> -> memref<1x125xi32, #tpu.memory_space<vmem>>
          %dma_start3A_97 = tpu.memref_squeeze %dma_start3A_96 : memref<1x125xi32, #tpu.memory_space<vmem>> -> memref<125xi32, #tpu.memory_space<vmem>>
          %dma_start3A_98 = arith.constant 0 : i32
          %dma_start3A_99 = arith.constant 0 : i32
          %dma_start3A_100 = tpu.memref_slice %arg11[%dma_start3A_98, %dma_start3A_99] : memref<10240x128xf32, #tpu.memory_space<vmem_shared>> -> memref<10240x128xf32, #tpu.memory_space<vmem_shared>>
          tpu.enqueue_indirect_dma source(%arg9 : memref<125x128xf32, #tpu.memory_space<vmem>>) target(%dma_start3A_100 : memref<10240x128xf32, #tpu.memory_space<vmem_shared>>) offsets(%dma_start3A_97 : memref<125xi32, #tpu.memory_space<vmem>>) semaphore(%run_scoped3A : memref<!tpu.dma_semaphore, #tpu.memory_space<semaphore_mem>>) {add = true}
          %dma_wait3A_101 = arith.constant 0 : i32
          %dma_wait3A_102 = tpu.memref_slice %arg8[%scan3A_49, %dma_wait3A_101] : memref<40x125xi32, #tpu.memory_space<vmem>> -> memref<1x125xi32, #tpu.memory_space<vmem>>
          %dma_wait3A_103 = tpu.memref_squeeze %dma_wait3A_102 : memref<1x125xi32, #tpu.memory_space<vmem>> -> memref<125xi32, #tpu.memory_space<vmem>>
          %dma_wait3A_104 = arith.constant 0 : i32
          %dma_wait3A_105 = arith.constant 0 : i32
          %dma_wait3A_106 = tpu.memref_slice %arg11[%dma_wait3A_104, %dma_wait3A_105] : memref<10240x128xf32, #tpu.memory_space<vmem_shared>> -> memref<10240x128xf32, #tpu.memory_space<vmem_shared>>
          tpu.wait_indirect_dma semaphore(%run_scoped3A : memref<!tpu.dma_semaphore, #tpu.memory_space<semaphore_mem>>) src(%arg9 : memref<125x128xf32, #tpu.memory_space<vmem>>) dst(%dma_wait3A_106 : memref<10240x128xf32, #tpu.memory_space<vmem_shared>>)
          tpu.yield
        }) : () -> ()
      } else {
      }
      %jit3A_62 = arith.constant 2 : i32
      %eq3A_63 = arith.constant 0 : i32
      %eq3A_64 = arith.cmpi eq, %jit3A_62, %eq3A_63 : i32
      %jit3A_65 = arith.constant 1 : i32
      %select_n3A_66 = arith.select %eq3A_64, %jit3A_65, %jit3A_62 : i32
      %rem3A_67 = arith.remsi %scan3A_49, %select_n3A_66 : i32
      %ne3A_68 = arith.constant 0 : i32
      %ne3A_69 = arith.cmpi ne, %rem3A_67, %ne3A_68 : i32
      %lt3A_70 = arith.constant 0 : i32
      %lt3A_71 = arith.cmpi slt, %rem3A_67, %lt3A_70 : i32
      %lt3A_72 = arith.constant 0 : i32
      %lt3A_73 = arith.cmpi slt, %select_n3A_66, %lt3A_72 : i32
      %ne3A_74 = arith.xori %lt3A_71, %lt3A_73 : i1
      %and3A_75 = arith.andi %ne3A_74, %ne3A_69 : i1
      %add3A_76 = arith.addi %rem3A_67, %select_n3A_66 : i32
      %select_n3A_77 = arith.select %and3A_75, %add3A_76, %rem3A_67 : i32
      %eq3A_78 = arith.constant 1 : i32
      %eq3A_79 = arith.cmpi eq, %select_n3A_77, %eq3A_78 : i32
      %convert_element_type3A_80 = arith.extui %eq3A_79 : i1 to i32
      %cond3A_81 = arith.constant 0 : i32
      %cond3A_82 = arith.cmpi ne, %convert_element_type3A_80, %cond3A_81 : i32
      scf.if %cond3A_82 {
        %dma_wait3A = arith.constant 0 : i32
        %dma_wait3A_83 = tpu.memref_slice %arg7[%scan3A_49, %dma_wait3A] : memref<40x125xi32, #tpu.memory_space<vmem>> -> memref<1x125xi32, #tpu.memory_space<vmem>>
        %dma_wait3A_84 = tpu.memref_squeeze %dma_wait3A_83 : memref<1x125xi32, #tpu.memory_space<vmem>> -> memref<125xi32, #tpu.memory_space<vmem>>
        %dma_wait3A_85 = arith.constant 0 : i32
        %dma_wait3A_86 = arith.constant 0 : i32
        %dma_wait3A_87 = tpu.memref_slice %arg2[%dma_wait3A_85, %dma_wait3A_86] : memref<10000x128xf32, #tpu.memory_space<hbm>> -> memref<10000x128xf32, #tpu.memory_space<hbm>>
        tpu.wait_indirect_dma semaphore(%arg13 : memref<!tpu.dma_semaphore, #tpu.memory_space<semaphore_mem>>) src(%dma_wait3A_87 : memref<10000x128xf32, #tpu.memory_space<hbm>>) dst(%arg10 : memref<125x128xf32, #tpu.memory_space<vmem>>)
        %add3A_88 = arith.constant 1 : i32
        %add3A_89 = arith.addi %scan3A_49, %add3A_88 : i32
        %lt3A_90 = arith.constant 40 : i32
        %lt3A_91 = arith.cmpi slt, %add3A_89, %lt3A_90 : i32
        %convert_element_type3A_92 = arith.extui %lt3A_91 : i1 to i32
        %cond3A_93 = arith.constant 0 : i32
        %cond3A_94 = arith.cmpi ne, %convert_element_type3A_92, %cond3A_93 : i32
        scf.if %cond3A_94 {
          %add3A_95 = arith.constant 1 : i32
          %add3A_96 = arith.addi %scan3A_49, %add3A_95 : i32
          %dma_start3A_97 = arith.constant 0 : i32
          %dma_start3A_98 = tpu.memref_slice %arg7[%add3A_96, %dma_start3A_97] : memref<40x125xi32, #tpu.memory_space<vmem>> -> memref<1x125xi32, #tpu.memory_space<vmem>>
          %dma_start3A_99 = tpu.memref_squeeze %dma_start3A_98 : memref<1x125xi32, #tpu.memory_space<vmem>> -> memref<125xi32, #tpu.memory_space<vmem>>
          %dma_start3A_100 = arith.constant 0 : i32
          %dma_start3A_101 = arith.constant 0 : i32
          %dma_start3A_102 = tpu.memref_slice %arg2[%dma_start3A_100, %dma_start3A_101] : memref<10000x128xf32, #tpu.memory_space<hbm>> -> memref<10000x128xf32, #tpu.memory_space<hbm>>
          tpu.enqueue_indirect_dma source(%dma_start3A_102 : memref<10000x128xf32, #tpu.memory_space<hbm>>) target(%arg9 : memref<125x128xf32, #tpu.memory_space<vmem>>) offsets(%dma_start3A_99 : memref<125xi32, #tpu.memory_space<vmem>>) semaphore(%arg12 : memref<!tpu.dma_semaphore, #tpu.memory_space<semaphore_mem>>)
        } else {
        }
        "tpu.region"() ({
          %run_scoped3A = tpu.sem_alloc : memref<!tpu.dma_semaphore, #tpu.memory_space<semaphore_mem>>
          %dma_start3A_95 = arith.constant 0 : i32
          %dma_start3A_96 = tpu.memref_slice %arg8[%scan3A_49, %dma_start3A_95] : memref<40x125xi32, #tpu.memory_space<vmem>> -> memref<1x125xi32, #tpu.memory_space<vmem>>
          %dma_start3A_97 = tpu.memref_squeeze %dma_start3A_96 : memref<1x125xi32, #tpu.memory_space<vmem>> -> memref<125xi32, #tpu.memory_space<vmem>>
          %dma_start3A_98 = arith.constant 0 : i32
          %dma_start3A_99 = arith.constant 0 : i32
          %dma_start3A_100 = tpu.memref_slice %arg11[%dma_start3A_98, %dma_start3A_99] : memref<10240x128xf32, #tpu.memory_space<vmem_shared>> -> memref<10240x128xf32, #tpu.memory_space<vmem_shared>>
          tpu.enqueue_indirect_dma source(%arg10 : memref<125x128xf32, #tpu.memory_space<vmem>>) target(%dma_start3A_100 : memref<10240x128xf32, #tpu.memory_space<vmem_shared>>) offsets(%dma_start3A_97 : memref<125xi32, #tpu.memory_space<vmem>>) semaphore(%run_scoped3A : memref<!tpu.dma_semaphore, #tpu.memory_space<semaphore_mem>>) {add = true}
          %dma_wait3A_101 = arith.constant 0 : i32
          %dma_wait3A_102 = tpu.memref_slice %arg8[%scan3A_49, %dma_wait3A_101] : memref<40x125xi32, #tpu.memory_space<vmem>> -> memref<1x125xi32, #tpu.memory_space<vmem>>
          %dma_wait3A_103 = tpu.memref_squeeze %dma_wait3A_102 : memref<1x125xi32, #tpu.memory_space<vmem>> -> memref<125xi32, #tpu.memory_space<vmem>>
          %dma_wait3A_104 = arith.constant 0 : i32
          %dma_wait3A_105 = arith.constant 0 : i32
          %dma_wait3A_106 = tpu.memref_slice %arg11[%dma_wait3A_104, %dma_wait3A_105] : memref<10240x128xf32, #tpu.memory_space<vmem_shared>> -> memref<10240x128xf32, #tpu.memory_space<vmem_shared>>
          tpu.wait_indirect_dma semaphore(%run_scoped3A : memref<!tpu.dma_semaphore, #tpu.memory_space<semaphore_mem>>) src(%arg10 : memref<125x128xf32, #tpu.memory_space<vmem>>) dst(%dma_wait3A_106 : memref<10240x128xf32, #tpu.memory_space<vmem_shared>>)
          tpu.yield
        }) : () -> ()
      } else {
      }
    }
    %scan3A_44 = arith.constant 40 : i32
    %barrier3A_45 = arith.constant 0 : index
    tpu.barrier barrier_id(%barrier3A_45)
    %mul3A_46 = arith.constant 10240 : i32
    %mul3A_47 = arith.muli %arg0, %mul3A_46 : i32
    %add3A_48 = arith.addi %mul3A_47, %mul3A_2 : i32
    "tpu.region"() ({
      %run_scoped3A = tpu.sem_alloc : memref<!tpu.dma_semaphore, #tpu.memory_space<semaphore_mem>>
      %dma_start3A_49 = arith.constant 0 : i32
      %dma_start3A_50 = tpu.memref_slice %arg6[%add3A_48, %dma_start3A_49] : memref<20480x128xf32, #tpu.memory_space<hbm>> -> memref<640x128xf32, #tpu.memory_space<hbm>>
      %dma_start3A_51 = arith.constant 0 : i32
      %dma_start3A_52 = tpu.memref_slice %arg11[%mul3A_2, %dma_start3A_51] : memref<10240x128xf32, #tpu.memory_space<vmem_shared>> -> memref<640x128xf32, #tpu.memory_space<vmem_shared>>
      tpu.enqueue_dma source(%dma_start3A_52 : memref<640x128xf32, #tpu.memory_space<vmem_shared>>) target(%dma_start3A_50 : memref<640x128xf32, #tpu.memory_space<hbm>>) target_semaphore(%run_scoped3A : memref<!tpu.dma_semaphore, #tpu.memory_space<semaphore_mem>>)
      %dma_wait3A = arith.constant 0 : i32
      %dma_wait3A_53 = tpu.memref_slice %arg6[%add3A_48, %dma_wait3A] : memref<20480x128xf32, #tpu.memory_space<hbm>> -> memref<640x128xf32, #tpu.memory_space<hbm>>
      %dma_wait3A_54 = arith.constant 0 : i32
      %dma_wait3A_55 = tpu.memref_slice %arg11[%mul3A_2, %dma_wait3A_54] : memref<10240x128xf32, #tpu.memory_space<vmem_shared>> -> memref<640x128xf32, #tpu.memory_space<vmem_shared>>
      tpu.wait_dma2 semaphore(%run_scoped3A : memref<!tpu.dma_semaphore, #tpu.memory_space<semaphore_mem>>) src(%dma_wait3A_55 : memref<640x128xf32, #tpu.memory_space<vmem_shared>>) dst(%dma_wait3A_53 : memref<640x128xf32, #tpu.memory_space<hbm>>)
      tpu.yield
    }) : () -> ()
    return
  }
}

#map = affine_map<(d0, d1) -> (0, 0)>
module attributes {stable_mosaic.version = 14 : i64} {
  func.func @sc_kernel(%arg0: i32, %arg1: i32, %arg2: memref<10000x128xf32, #tpu.memory_space<hbm>>, %arg3: memref<2560x125xi32, #tpu.memory_space<hbm>>, %arg4: memref<2560x125xi32, #tpu.memory_space<hbm>>, %arg5: memref<128x128xf32, #tpu.memory_space<hbm>>, %arg6: memref<20480x128xf32, #tpu.memory_space<hbm>>, %arg7: memref<40x125xi32, #tpu.memory_space<vmem>>, %arg8: memref<40x125xi32, #tpu.memory_space<vmem>>, %arg9: memref<125x128xf32, #tpu.memory_space<vmem>>, %arg10: memref<125x128xf32, #tpu.memory_space<vmem>>, %arg11: memref<10240x128xf32, #tpu.memory_space<vmem_shared>>, %arg12: memref<!tpu.dma_semaphore, #tpu.memory_space<semaphore_mem>>, %arg13: memref<!tpu.dma_semaphore, #tpu.memory_space<semaphore_mem>>) attributes {dimension_semantics = [#tpu.dimension_semantics<core_parallel>, #tpu.dimension_semantics<subcore_parallel>], iteration_bounds = array<i64: 2, 16>, scalar_prefetch = 0 : i64, scratch_operands = 7 : i64, tpu.core_type = #tpu.core_type<sc_vector_subcore>, window_params = [{transform_indices = #map}, {transform_indices = #map}, {transform_indices = #map}, {transform_indices = #map}, {transform_indices = #map}]} {
    %mul3A = arith.constant 16 : i32
    %mul3A_0 = arith.muli %arg0, %mul3A : i32
    %add3A = arith.addi %mul3A_0, %arg1 : i32
    %mul3A_1 = arith.constant 640 : i32
    %mul3A_2 = arith.muli %arg1, %mul3A_1 : i32
    %add3A_3 = arith.constant 0 : i32
    %add3A_4 = arith.addi %mul3A_2, %add3A_3 : i32
    "tpu.region"() ({
      %run_scoped3A = tpu.sem_alloc : memref<!tpu.dma_semaphore, #tpu.memory_space<semaphore_mem>>
      %dma_start3A_49 = arith.constant 0 : i32
      %dma_start3A_50 = tpu.memref_slice %arg11[%add3A_4, %dma_start3A_49] : memref<10240x128xf32, #tpu.memory_space<vmem_shared>> -> memref<128x128xf32, #tpu.memory_space<vmem_shared>>
      tpu.enqueue_dma source(%arg5 : memref<128x128xf32, #tpu.memory_space<hbm>>) target(%dma_start3A_50 : memref<128x128xf32, #tpu.memory_space<vmem_shared>>) target_semaphore(%run_scoped3A : memref<!tpu.dma_semaphore, #tpu.memory_space<semaphore_mem>>)
      %dma_wait3A = arith.constant 0 : i32
      %dma_wait3A_51 = tpu.memref_slice %arg11[%add3A_4, %dma_wait3A] : memref<10240x128xf32, #tpu.memory_space<vmem_shared>> -> memref<128x128xf32, #tpu.memory_space<vmem_shared>>
      tpu.wait_dma2 semaphore(%run_scoped3A : memref<!tpu.dma_semaphore, #tpu.memory_space<semaphore_mem>>) src(%arg5 : memref<128x128xf32, #tpu.memory_space<hbm>>) dst(%dma_wait3A_51 : memref<128x128xf32, #tpu.memory_space<vmem_shared>>)
      tpu.yield
    }) : () -> ()
    %add3A_5 = arith.constant 128 : i32
    %add3A_6 = arith.addi %mul3A_2, %add3A_5 : i32
    "tpu.region"() ({
      %run_scoped3A = tpu.sem_alloc : memref<!tpu.dma_semaphore, #tpu.memory_space<semaphore_mem>>
      %dma_start3A_49 = arith.constant 0 : i32
      %dma_start3A_50 = tpu.memref_slice %arg11[%add3A_6, %dma_start3A_49] : memref<10240x128xf32, #tpu.memory_space<vmem_shared>> -> memref<128x128xf32, #tpu.memory_space<vmem_shared>>
      tpu.enqueue_dma source(%arg5 : memref<128x128xf32, #tpu.memory_space<hbm>>) target(%dma_start3A_50 : memref<128x128xf32, #tpu.memory_space<vmem_shared>>) target_semaphore(%run_scoped3A : memref<!tpu.dma_semaphore, #tpu.memory_space<semaphore_mem>>)
      %dma_wait3A = arith.constant 0 : i32
      %dma_wait3A_51 = tpu.memref_slice %arg11[%add3A_6, %dma_wait3A] : memref<10240x128xf32, #tpu.memory_space<vmem_shared>> -> memref<128x128xf32, #tpu.memory_space<vmem_shared>>
      tpu.wait_dma2 semaphore(%run_scoped3A : memref<!tpu.dma_semaphore, #tpu.memory_space<semaphore_mem>>) src(%arg5 : memref<128x128xf32, #tpu.memory_space<hbm>>) dst(%dma_wait3A_51 : memref<128x128xf32, #tpu.memory_space<vmem_shared>>)
      tpu.yield
    }) : () -> ()
    %add3A_7 = arith.constant 256 : i32
    %add3A_8 = arith.addi %mul3A_2, %add3A_7 : i32
    "tpu.region"() ({
      %run_scoped3A = tpu.sem_alloc : memref<!tpu.dma_semaphore, #tpu.memory_space<semaphore_mem>>
      %dma_start3A_49 = arith.constant 0 : i32
      %dma_start3A_50 = tpu.memref_slice %arg11[%add3A_8, %dma_start3A_49] : memref<10240x128xf32, #tpu.memory_space<vmem_shared>> -> memref<128x128xf32, #tpu.memory_space<vmem_shared>>
      tpu.enqueue_dma source(%arg5 : memref<128x128xf32, #tpu.memory_space<hbm>>) target(%dma_start3A_50 : memref<128x128xf32, #tpu.memory_space<vmem_shared>>) target_semaphore(%run_scoped3A : memref<!tpu.dma_semaphore, #tpu.memory_space<semaphore_mem>>)
      %dma_wait3A = arith.constant 0 : i32
      %dma_wait3A_51 = tpu.memref_slice %arg11[%add3A_8, %dma_wait3A] : memref<10240x128xf32, #tpu.memory_space<vmem_shared>> -> memref<128x128xf32, #tpu.memory_space<vmem_shared>>
      tpu.wait_dma2 semaphore(%run_scoped3A : memref<!tpu.dma_semaphore, #tpu.memory_space<semaphore_mem>>) src(%arg5 : memref<128x128xf32, #tpu.memory_space<hbm>>) dst(%dma_wait3A_51 : memref<128x128xf32, #tpu.memory_space<vmem_shared>>)
      tpu.yield
    }) : () -> ()
    %add3A_9 = arith.constant 384 : i32
    %add3A_10 = arith.addi %mul3A_2, %add3A_9 : i32
    "tpu.region"() ({
      %run_scoped3A = tpu.sem_alloc : memref<!tpu.dma_semaphore, #tpu.memory_space<semaphore_mem>>
      %dma_start3A_49 = arith.constant 0 : i32
      %dma_start3A_50 = tpu.memref_slice %arg11[%add3A_10, %dma_start3A_49] : memref<10240x128xf32, #tpu.memory_space<vmem_shared>> -> memref<128x128xf32, #tpu.memory_space<vmem_shared>>
      tpu.enqueue_dma source(%arg5 : memref<128x128xf32, #tpu.memory_space<hbm>>) target(%dma_start3A_50 : memref<128x128xf32, #tpu.memory_space<vmem_shared>>) target_semaphore(%run_scoped3A : memref<!tpu.dma_semaphore, #tpu.memory_space<semaphore_mem>>)
      %dma_wait3A = arith.constant 0 : i32
      %dma_wait3A_51 = tpu.memref_slice %arg11[%add3A_10, %dma_wait3A] : memref<10240x128xf32, #tpu.memory_space<vmem_shared>> -> memref<128x128xf32, #tpu.memory_space<vmem_shared>>
      tpu.wait_dma2 semaphore(%run_scoped3A : memref<!tpu.dma_semaphore, #tpu.memory_space<semaphore_mem>>) src(%arg5 : memref<128x128xf32, #tpu.memory_space<hbm>>) dst(%dma_wait3A_51 : memref<128x128xf32, #tpu.memory_space<vmem_shared>>)
      tpu.yield
    }) : () -> ()
    %add3A_11 = arith.constant 512 : i32
    %add3A_12 = arith.addi %mul3A_2, %add3A_11 : i32
    "tpu.region"() ({
      %run_scoped3A = tpu.sem_alloc : memref<!tpu.dma_semaphore, #tpu.memory_space<semaphore_mem>>
      %dma_start3A_49 = arith.constant 0 : i32
      %dma_start3A_50 = tpu.memref_slice %arg11[%add3A_12, %dma_start3A_49] : memref<10240x128xf32, #tpu.memory_space<vmem_shared>> -> memref<128x128xf32, #tpu.memory_space<vmem_shared>>
      tpu.enqueue_dma source(%arg5 : memref<128x128xf32, #tpu.memory_space<hbm>>) target(%dma_start3A_50 : memref<128x128xf32, #tpu.memory_space<vmem_shared>>) target_semaphore(%run_scoped3A : memref<!tpu.dma_semaphore, #tpu.memory_space<semaphore_mem>>)
      %dma_wait3A = arith.constant 0 : i32
      %dma_wait3A_51 = tpu.memref_slice %arg11[%add3A_12, %dma_wait3A] : memref<10240x128xf32, #tpu.memory_space<vmem_shared>> -> memref<128x128xf32, #tpu.memory_space<vmem_shared>>
      tpu.wait_dma2 semaphore(%run_scoped3A : memref<!tpu.dma_semaphore, #tpu.memory_space<semaphore_mem>>) src(%arg5 : memref<128x128xf32, #tpu.memory_space<hbm>>) dst(%dma_wait3A_51 : memref<128x128xf32, #tpu.memory_space<vmem_shared>>)
      tpu.yield
    }) : () -> ()
    %barrier3A = arith.constant 0 : index
    tpu.barrier barrier_id(%barrier3A)
    %mul3A_13 = arith.constant 80 : i32
    %mul3A_14 = arith.muli %add3A, %mul3A_13 : i32
    %add3A_15 = arith.constant 0 : i32
    %add3A_16 = arith.addi %mul3A_14, %add3A_15 : i32
    "tpu.region"() ({
      %run_scoped3A = tpu.sem_alloc : memref<!tpu.dma_semaphore, #tpu.memory_space<semaphore_mem>>
      %dma_start3A_49 = arith.constant 0 : i32
      %dma_start3A_50 = tpu.memref_slice %arg3[%add3A_16, %dma_start3A_49] : memref<2560x125xi32, #tpu.memory_space<hbm>> -> memref<40x125xi32, #tpu.memory_space<hbm>>
      %dma_start3A_51 = arith.constant 0 : i32
      %dma_start3A_52 = tpu.memref_slice %arg3[%add3A_16, %dma_start3A_51] : memref<2560x125xi32, #tpu.memory_space<hbm>> -> memref<40x125xi32, #tpu.memory_space<hbm>>
      tpu.enqueue_dma source(%dma_start3A_52 : memref<40x125xi32, #tpu.memory_space<hbm>>) target(%arg7 : memref<40x125xi32, #tpu.memory_space<vmem>>) target_semaphore(%run_scoped3A : memref<!tpu.dma_semaphore, #tpu.memory_space<semaphore_mem>>)
      %dma_wait3A = arith.constant 0 : i32
      %dma_wait3A_53 = tpu.memref_slice %arg3[%add3A_16, %dma_wait3A] : memref<2560x125xi32, #tpu.memory_space<hbm>> -> memref<40x125xi32, #tpu.memory_space<hbm>>
      %dma_wait3A_54 = arith.constant 0 : i32
      %dma_wait3A_55 = tpu.memref_slice %arg3[%add3A_16, %dma_wait3A_54] : memref<2560x125xi32, #tpu.memory_space<hbm>> -> memref<40x125xi32, #tpu.memory_space<hbm>>
      tpu.wait_dma2 semaphore(%run_scoped3A : memref<!tpu.dma_semaphore, #tpu.memory_space<semaphore_mem>>) src(%dma_wait3A_55 : memref<40x125xi32, #tpu.memory_space<hbm>>) dst(%arg7 : memref<40x125xi32, #tpu.memory_space<vmem>>)
      tpu.yield
    }) : () -> ()
    "tpu.region"() ({
      %run_scoped3A = tpu.sem_alloc : memref<!tpu.dma_semaphore, #tpu.memory_space<semaphore_mem>>
      %dma_start3A_49 = arith.constant 0 : i32
      %dma_start3A_50 = tpu.memref_slice %arg4[%add3A_16, %dma_start3A_49] : memref<2560x125xi32, #tpu.memory_space<hbm>> -> memref<40x125xi32, #tpu.memory_space<hbm>>
      %dma_start3A_51 = arith.constant 0 : i32
      %dma_start3A_52 = tpu.memref_slice %arg4[%add3A_16, %dma_start3A_51] : memref<2560x125xi32, #tpu.memory_space<hbm>> -> memref<40x125xi32, #tpu.memory_space<hbm>>
      tpu.enqueue_dma source(%dma_start3A_52 : memref<40x125xi32, #tpu.memory_space<hbm>>) target(%arg8 : memref<40x125xi32, #tpu.memory_space<vmem>>) target_semaphore(%run_scoped3A : memref<!tpu.dma_semaphore, #tpu.memory_space<semaphore_mem>>)
      %dma_wait3A = arith.constant 0 : i32
      %dma_wait3A_53 = tpu.memref_slice %arg4[%add3A_16, %dma_wait3A] : memref<2560x125xi32, #tpu.memory_space<hbm>> -> memref<40x125xi32, #tpu.memory_space<hbm>>
      %dma_wait3A_54 = arith.constant 0 : i32
      %dma_wait3A_55 = tpu.memref_slice %arg4[%add3A_16, %dma_wait3A_54] : memref<2560x125xi32, #tpu.memory_space<hbm>> -> memref<40x125xi32, #tpu.memory_space<hbm>>
      tpu.wait_dma2 semaphore(%run_scoped3A : memref<!tpu.dma_semaphore, #tpu.memory_space<semaphore_mem>>) src(%dma_wait3A_55 : memref<40x125xi32, #tpu.memory_space<hbm>>) dst(%arg8 : memref<40x125xi32, #tpu.memory_space<vmem>>)
      tpu.yield
    }) : () -> ()
    %dma_start3A = arith.constant 0 : i32
    %dma_start3A_17 = arith.constant 0 : i32
    %dma_start3A_18 = tpu.memref_slice %arg7[%dma_start3A, %dma_start3A_17] : memref<40x125xi32, #tpu.memory_space<vmem>> -> memref<1x125xi32, #tpu.memory_space<vmem>>
    %dma_start3A_19 = tpu.memref_squeeze %dma_start3A_18 : memref<1x125xi32, #tpu.memory_space<vmem>> -> memref<125xi32, #tpu.memory_space<vmem>>
    %dma_start3A_20 = arith.constant 0 : i32
    %dma_start3A_21 = arith.constant 0 : i32
    %dma_start3A_22 = tpu.memref_slice %arg2[%dma_start3A_20, %dma_start3A_21] : memref<10000x128xf32, #tpu.memory_space<hbm>> -> memref<10000x128xf32, #tpu.memory_space<hbm>>
    tpu.enqueue_indirect_dma source(%dma_start3A_22 : memref<10000x128xf32, #tpu.memory_space<hbm>>) target(%arg9 : memref<125x128xf32, #tpu.memory_space<vmem>>) offsets(%dma_start3A_19 : memref<125xi32, #tpu.memory_space<vmem>>) semaphore(%arg12 : memref<!tpu.dma_semaphore, #tpu.memory_space<semaphore_mem>>)
    %scan3A = arith.constant 0 : i32
    %scan3A_23 = arith.constant 0 : i32
    %scan3A_24 = arith.constant 40 : i32
    %scan3A_25 = arith.addi %scan3A_23, %scan3A_24 : i32
    %scan3A_26 = arith.constant 1 : i32
    scf.for %scan3A_49 = %scan3A_23 to %scan3A_25 step %scan3A_26  : i32 {
      %jit3A = arith.constant 2 : i32
      %eq3A = arith.constant 0 : i32
      %eq3A_50 = arith.cmpi eq, %jit3A, %eq3A : i32
      %jit3A_51 = arith.constant 1 : i32
      %select_n3A = arith.select %eq3A_50, %jit3A_51, %jit3A : i32
      %rem3A = arith.remsi %scan3A_49, %select_n3A : i32
      %ne3A = arith.constant 0 : i32
      %ne3A_52 = arith.cmpi ne, %rem3A, %ne3A : i32
      %lt3A = arith.constant 0 : i32
      %lt3A_53 = arith.cmpi slt, %rem3A, %lt3A : i32
      %lt3A_54 = arith.constant 0 : i32
      %lt3A_55 = arith.cmpi slt, %select_n3A, %lt3A_54 : i32
      %ne3A_56 = arith.xori %lt3A_53, %lt3A_55 : i1
      %and3A = arith.andi %ne3A_56, %ne3A_52 : i1
      %add3A_57 = arith.addi %rem3A, %select_n3A : i32
      %select_n3A_58 = arith.select %and3A, %add3A_57, %rem3A : i32
      %eq3A_59 = arith.constant 0 : i32
      %eq3A_60 = arith.cmpi eq, %select_n3A_58, %eq3A_59 : i32
      %convert_element_type3A = arith.extui %eq3A_60 : i1 to i32
      %cond3A = arith.constant 0 : i32
      %cond3A_61 = arith.cmpi ne, %convert_element_type3A, %cond3A : i32
      scf.if %cond3A_61 {
        %dma_wait3A = arith.constant 0 : i32
        %dma_wait3A_83 = tpu.memref_slice %arg7[%scan3A_49, %dma_wait3A] : memref<40x125xi32, #tpu.memory_space<vmem>> -> memref<1x125xi32, #tpu.memory_space<vmem>>
        %dma_wait3A_84 = tpu.memref_squeeze %dma_wait3A_83 : memref<1x125xi32, #tpu.memory_space<vmem>> -> memref<125xi32, #tpu.memory_space<vmem>>
        %dma_wait3A_85 = arith.constant 0 : i32
        %dma_wait3A_86 = arith.constant 0 : i32
        %dma_wait3A_87 = tpu.memref_slice %arg2[%dma_wait3A_85, %dma_wait3A_86] : memref<10000x128xf32, #tpu.memory_space<hbm>> -> memref<10000x128xf32, #tpu.memory_space<hbm>>
        tpu.wait_indirect_dma semaphore(%arg12 : memref<!tpu.dma_semaphore, #tpu.memory_space<semaphore_mem>>) src(%dma_wait3A_87 : memref<10000x128xf32, #tpu.memory_space<hbm>>) dst(%arg9 : memref<125x128xf32, #tpu.memory_space<vmem>>)
        %add3A_88 = arith.constant 1 : i32
        %add3A_89 = arith.addi %scan3A_49, %add3A_88 : i32
        %lt3A_90 = arith.constant 40 : i32
        %lt3A_91 = arith.cmpi slt, %add3A_89, %lt3A_90 : i32
        %convert_element_type3A_92 = arith.extui %lt3A_91 : i1 to i32
        %cond3A_93 = arith.constant 0 : i32
        %cond3A_94 = arith.cmpi ne, %convert_element_type3A_92, %cond3A_93 : i32
        scf.if %cond3A_94 {
          %add3A_95 = arith.constant 1 : i32
          %add3A_96 = arith.addi %scan3A_49, %add3A_95 : i32
          %dma_start3A_97 = arith.constant 0 : i32
          %dma_start3A_98 = tpu.memref_slice %arg7[%add3A_96, %dma_start3A_97] : memref<40x125xi32, #tpu.memory_space<vmem>> -> memref<1x125xi32, #tpu.memory_space<vmem>>
          %dma_start3A_99 = tpu.memref_squeeze %dma_start3A_98 : memref<1x125xi32, #tpu.memory_space<vmem>> -> memref<125xi32, #tpu.memory_space<vmem>>
          %dma_start3A_100 = arith.constant 0 : i32
          %dma_start3A_101 = arith.constant 0 : i32
          %dma_start3A_102 = tpu.memref_slice %arg2[%dma_start3A_100, %dma_start3A_101] : memref<10000x128xf32, #tpu.memory_space<hbm>> -> memref<10000x128xf32, #tpu.memory_space<hbm>>
          tpu.enqueue_indirect_dma source(%dma_start3A_102 : memref<10000x128xf32, #tpu.memory_space<hbm>>) target(%arg10 : memref<125x128xf32, #tpu.memory_space<vmem>>) offsets(%dma_start3A_99 : memref<125xi32, #tpu.memory_space<vmem>>) semaphore(%arg13 : memref<!tpu.dma_semaphore, #tpu.memory_space<semaphore_mem>>)
        } else {
        }
        "tpu.region"() ({
          %run_scoped3A = tpu.sem_alloc : memref<!tpu.dma_semaphore, #tpu.memory_space<semaphore_mem>>
          %dma_start3A_95 = arith.constant 0 : i32
          %dma_start3A_96 = tpu.memref_slice %arg8[%scan3A_49, %dma_start3A_95] : memref<40x125xi32, #tpu.memory_space<vmem>> -> memref<1x125xi32, #tpu.memory_space<vmem>>
          %dma_start3A_97 = tpu.memref_squeeze %dma_start3A_96 : memref<1x125xi32, #tpu.memory_space<vmem>> -> memref<125xi32, #tpu.memory_space<vmem>>
          %dma_start3A_98 = arith.constant 0 : i32
          %dma_start3A_99 = arith.constant 0 : i32
          %dma_start3A_100 = tpu.memref_slice %arg11[%dma_start3A_98, %dma_start3A_99] : memref<10240x128xf32, #tpu.memory_space<vmem_shared>> -> memref<10240x128xf32, #tpu.memory_space<vmem_shared>>
          tpu.enqueue_indirect_dma source(%arg9 : memref<125x128xf32, #tpu.memory_space<vmem>>) target(%dma_start3A_100 : memref<10240x128xf32, #tpu.memory_space<vmem_shared>>) offsets(%dma_start3A_97 : memref<125xi32, #tpu.memory_space<vmem>>) semaphore(%run_scoped3A : memref<!tpu.dma_semaphore, #tpu.memory_space<semaphore_mem>>) {add = true}
          %dma_wait3A_101 = arith.constant 0 : i32
          %dma_wait3A_102 = tpu.memref_slice %arg8[%scan3A_49, %dma_wait3A_101] : memref<40x125xi32, #tpu.memory_space<vmem>> -> memref<1x125xi32, #tpu.memory_space<vmem>>
          %dma_wait3A_103 = tpu.memref_squeeze %dma_wait3A_102 : memref<1x125xi32, #tpu.memory_space<vmem>> -> memref<125xi32, #tpu.memory_space<vmem>>
          %dma_wait3A_104 = arith.constant 0 : i32
          %dma_wait3A_105 = arith.constant 0 : i32
          %dma_wait3A_106 = tpu.memref_slice %arg11[%dma_wait3A_104, %dma_wait3A_105] : memref<10240x128xf32, #tpu.memory_space<vmem_shared>> -> memref<10240x128xf32, #tpu.memory_space<vmem_shared>>
          tpu.wait_indirect_dma semaphore(%run_scoped3A : memref<!tpu.dma_semaphore, #tpu.memory_space<semaphore_mem>>) src(%arg9 : memref<125x128xf32, #tpu.memory_space<vmem>>) dst(%dma_wait3A_106 : memref<10240x128xf32, #tpu.memory_space<vmem_shared>>)
          tpu.yield
        }) : () -> ()
      } else {
      }
      %jit3A_62 = arith.constant 2 : i32
      %eq3A_63 = arith.constant 0 : i32
      %eq3A_64 = arith.cmpi eq, %jit3A_62, %eq3A_63 : i32
      %jit3A_65 = arith.constant 1 : i32
      %select_n3A_66 = arith.select %eq3A_64, %jit3A_65, %jit3A_62 : i32
      %rem3A_67 = arith.remsi %scan3A_49, %select_n3A_66 : i32
      %ne3A_68 = arith.constant 0 : i32
      %ne3A_69 = arith.cmpi ne, %rem3A_67, %ne3A_68 : i32
      %lt3A_70 = arith.constant 0 : i32
      %lt3A_71 = arith.cmpi slt, %rem3A_67, %lt3A_70 : i32
      %lt3A_72 = arith.constant 0 : i32
      %lt3A_73 = arith.cmpi slt, %select_n3A_66, %lt3A_72 : i32
      %ne3A_74 = arith.xori %lt3A_71, %lt3A_73 : i1
      %and3A_75 = arith.andi %ne3A_74, %ne3A_69 : i1
      %add3A_76 = arith.addi %rem3A_67, %select_n3A_66 : i32
      %select_n3A_77 = arith.select %and3A_75, %add3A_76, %rem3A_67 : i32
      %eq3A_78 = arith.constant 1 : i32
      %eq3A_79 = arith.cmpi eq, %select_n3A_77, %eq3A_78 : i32
      %convert_element_type3A_80 = arith.extui %eq3A_79 : i1 to i32
      %cond3A_81 = arith.constant 0 : i32
      %cond3A_82 = arith.cmpi ne, %convert_element_type3A_80, %cond3A_81 : i32
      scf.if %cond3A_82 {
        %dma_wait3A = arith.constant 0 : i32
        %dma_wait3A_83 = tpu.memref_slice %arg7[%scan3A_49, %dma_wait3A] : memref<40x125xi32, #tpu.memory_space<vmem>> -> memref<1x125xi32, #tpu.memory_space<vmem>>
        %dma_wait3A_84 = tpu.memref_squeeze %dma_wait3A_83 : memref<1x125xi32, #tpu.memory_space<vmem>> -> memref<125xi32, #tpu.memory_space<vmem>>
        %dma_wait3A_85 = arith.constant 0 : i32
        %dma_wait3A_86 = arith.constant 0 : i32
        %dma_wait3A_87 = tpu.memref_slice %arg2[%dma_wait3A_85, %dma_wait3A_86] : memref<10000x128xf32, #tpu.memory_space<hbm>> -> memref<10000x128xf32, #tpu.memory_space<hbm>>
        tpu.wait_indirect_dma semaphore(%arg13 : memref<!tpu.dma_semaphore, #tpu.memory_space<semaphore_mem>>) src(%dma_wait3A_87 : memref<10000x128xf32, #tpu.memory_space<hbm>>) dst(%arg10 : memref<125x128xf32, #tpu.memory_space<vmem>>)
        %add3A_88 = arith.constant 1 : i32
        %add3A_89 = arith.addi %scan3A_49, %add3A_88 : i32
        %lt3A_90 = arith.constant 40 : i32
        %lt3A_91 = arith.cmpi slt, %add3A_89, %lt3A_90 : i32
        %convert_element_type3A_92 = arith.extui %lt3A_91 : i1 to i32
        %cond3A_93 = arith.constant 0 : i32
        %cond3A_94 = arith.cmpi ne, %convert_element_type3A_92, %cond3A_93 : i32
        scf.if %cond3A_94 {
          %add3A_95 = arith.constant 1 : i32
          %add3A_96 = arith.addi %scan3A_49, %add3A_95 : i32
          %dma_start3A_97 = arith.constant 0 : i32
          %dma_start3A_98 = tpu.memref_slice %arg7[%add3A_96, %dma_start3A_97] : memref<40x125xi32, #tpu.memory_space<vmem>> -> memref<1x125xi32, #tpu.memory_space<vmem>>
          %dma_start3A_99 = tpu.memref_squeeze %dma_start3A_98 : memref<1x125xi32, #tpu.memory_space<vmem>> -> memref<125xi32, #tpu.memory_space<vmem>>
          %dma_start3A_100 = arith.constant 0 : i32
          %dma_start3A_101 = arith.constant 0 : i32
          %dma_start3A_102 = tpu.memref_slice %arg2[%dma_start3A_100, %dma_start3A_101] : memref<10000x128xf32, #tpu.memory_space<hbm>> -> memref<10000x128xf32, #tpu.memory_space<hbm>>
          tpu.enqueue_indirect_dma source(%dma_start3A_102 : memref<10000x128xf32, #tpu.memory_space<hbm>>) target(%arg9 : memref<125x128xf32, #tpu.memory_space<vmem>>) offsets(%dma_start3A_99 : memref<125xi32, #tpu.memory_space<vmem>>) semaphore(%arg12 : memref<!tpu.dma_semaphore, #tpu.memory_space<semaphore_mem>>)
        } else {
        }
        "tpu.region"() ({
          %run_scoped3A = tpu.sem_alloc : memref<!tpu.dma_semaphore, #tpu.memory_space<semaphore_mem>>
          %dma_start3A_95 = arith.constant 0 : i32
          %dma_start3A_96 = tpu.memref_slice %arg8[%scan3A_49, %dma_start3A_95] : memref<40x125xi32, #tpu.memory_space<vmem>> -> memref<1x125xi32, #tpu.memory_space<vmem>>
          %dma_start3A_97 = tpu.memref_squeeze %dma_start3A_96 : memref<1x125xi32, #tpu.memory_space<vmem>> -> memref<125xi32, #tpu.memory_space<vmem>>
          %dma_start3A_98 = arith.constant 0 : i32
          %dma_start3A_99 = arith.constant 0 : i32
          %dma_start3A_100 = tpu.memref_slice %arg11[%dma_start3A_98, %dma_start3A_99] : memref<10240x128xf32, #tpu.memory_space<vmem_shared>> -> memref<10240x128xf32, #tpu.memory_space<vmem_shared>>
          tpu.enqueue_indirect_dma source(%arg10 : memref<125x128xf32, #tpu.memory_space<vmem>>) target(%dma_start3A_100 : memref<10240x128xf32, #tpu.memory_space<vmem_shared>>) offsets(%dma_start3A_97 : memref<125xi32, #tpu.memory_space<vmem>>) semaphore(%run_scoped3A : memref<!tpu.dma_semaphore, #tpu.memory_space<semaphore_mem>>) {add = true}
          %dma_wait3A_101 = arith.constant 0 : i32
          %dma_wait3A_102 = tpu.memref_slice %arg8[%scan3A_49, %dma_wait3A_101] : memref<40x125xi32, #tpu.memory_space<vmem>> -> memref<1x125xi32, #tpu.memory_space<vmem>>
          %dma_wait3A_103 = tpu.memref_squeeze %dma_wait3A_102 : memref<1x125xi32, #tpu.memory_space<vmem>> -> memref<125xi32, #tpu.memory_space<vmem>>
          %dma_wait3A_104 = arith.constant 0 : i32
          %dma_wait3A_105 = arith.constant 0 : i32
          %dma_wait3A_106 = tpu.memref_slice %arg11[%dma_wait3A_104, %dma_wait3A_105] : memref<10240x128xf32, #tpu.memory_space<vmem_shared>> -> memref<10240x128xf32, #tpu.memory_space<vmem_shared>>
          tpu.wait_indirect_dma semaphore(%run_scoped3A : memref<!tpu.dma_semaphore, #tpu.memory_space<semaphore_mem>>) src(%arg10 : memref<125x128xf32, #tpu.memory_space<vmem>>) dst(%dma_wait3A_106 : memref<10240x128xf32, #tpu.memory_space<vmem_shared>>)
          tpu.yield
        }) : () -> ()
      } else {
      }
    }
    %scan3A_27 = arith.constant 40 : i32
    %mul3A_28 = arith.constant 80 : i32
    %mul3A_29 = arith.muli %add3A, %mul3A_28 : i32
    %add3A_30 = arith.constant 40 : i32
    %add3A_31 = arith.addi %mul3A_29, %add3A_30 : i32
    "tpu.region"() ({
      %run_scoped3A = tpu.sem_alloc : memref<!tpu.dma_semaphore, #tpu.memory_space<semaphore_mem>>
      %dma_start3A_49 = arith.constant 0 : i32
      %dma_start3A_50 = tpu.memref_slice %arg3[%add3A_31, %dma_start3A_49] : memref<2560x125xi32, #tpu.memory_space<hbm>> -> memref<40x125xi32, #tpu.memory_space<hbm>>
      %dma_start3A_51 = arith.constant 0 : i32
      %dma_start3A_52 = tpu.memref_slice %arg3[%add3A_31, %dma_start3A_51] : memref<2560x125xi32, #tpu.memory_space<hbm>> -> memref<40x125xi32, #tpu.memory_space<hbm>>
      tpu.enqueue_dma source(%dma_start3A_52 : memref<40x125xi32, #tpu.memory_space<hbm>>) target(%arg7 : memref<40x125xi32, #tpu.memory_space<vmem>>) target_semaphore(%run_scoped3A : memref<!tpu.dma_semaphore, #tpu.memory_space<semaphore_mem>>)
      %dma_wait3A = arith.constant 0 : i32
      %dma_wait3A_53 = tpu.memref_slice %arg3[%add3A_31, %dma_wait3A] : memref<2560x125xi32, #tpu.memory_space<hbm>> -> memref<40x125xi32, #tpu.memory_space<hbm>>
      %dma_wait3A_54 = arith.constant 0 : i32
      %dma_wait3A_55 = tpu.memref_slice %arg3[%add3A_31, %dma_wait3A_54] : memref<2560x125xi32, #tpu.memory_space<hbm>> -> memref<40x125xi32, #tpu.memory_space<hbm>>
      tpu.wait_dma2 semaphore(%run_scoped3A : memref<!tpu.dma_semaphore, #tpu.memory_space<semaphore_mem>>) src(%dma_wait3A_55 : memref<40x125xi32, #tpu.memory_space<hbm>>) dst(%arg7 : memref<40x125xi32, #tpu.memory_space<vmem>>)
      tpu.yield
    }) : () -> ()
    "tpu.region"() ({
      %run_scoped3A = tpu.sem_alloc : memref<!tpu.dma_semaphore, #tpu.memory_space<semaphore_mem>>
      %dma_start3A_49 = arith.constant 0 : i32
      %dma_start3A_50 = tpu.memref_slice %arg4[%add3A_31, %dma_start3A_49] : memref<2560x125xi32, #tpu.memory_space<hbm>> -> memref<40x125xi32, #tpu.memory_space<hbm>>
      %dma_start3A_51 = arith.constant 0 : i32
      %dma_start3A_52 = tpu.memref_slice %arg4[%add3A_31, %dma_start3A_51] : memref<2560x125xi32, #tpu.memory_space<hbm>> -> memref<40x125xi32, #tpu.memory_space<hbm>>
      tpu.enqueue_dma source(%dma_start3A_52 : memref<40x125xi32, #tpu.memory_space<hbm>>) target(%arg8 : memref<40x125xi32, #tpu.memory_space<vmem>>) target_semaphore(%run_scoped3A : memref<!tpu.dma_semaphore, #tpu.memory_space<semaphore_mem>>)
      %dma_wait3A = arith.constant 0 : i32
      %dma_wait3A_53 = tpu.memref_slice %arg4[%add3A_31, %dma_wait3A] : memref<2560x125xi32, #tpu.memory_space<hbm>> -> memref<40x125xi32, #tpu.memory_space<hbm>>
      %dma_wait3A_54 = arith.constant 0 : i32
      %dma_wait3A_55 = tpu.memref_slice %arg4[%add3A_31, %dma_wait3A_54] : memref<2560x125xi32, #tpu.memory_space<hbm>> -> memref<40x125xi32, #tpu.memory_space<hbm>>
      tpu.wait_dma2 semaphore(%run_scoped3A : memref<!tpu.dma_semaphore, #tpu.memory_space<semaphore_mem>>) src(%dma_wait3A_55 : memref<40x125xi32, #tpu.memory_space<hbm>>) dst(%arg8 : memref<40x125xi32, #tpu.memory_space<vmem>>)
      tpu.yield
    }) : () -> ()
    %dma_start3A_32 = arith.constant 0 : i32
    %dma_start3A_33 = arith.constant 0 : i32
    %dma_start3A_34 = tpu.memref_slice %arg7[%dma_start3A_32, %dma_start3A_33] : memref<40x125xi32, #tpu.memory_space<vmem>> -> memref<1x125xi32, #tpu.memory_space<vmem>>
    %dma_start3A_35 = tpu.memref_squeeze %dma_start3A_34 : memref<1x125xi32, #tpu.memory_space<vmem>> -> memref<125xi32, #tpu.memory_space<vmem>>
    %dma_start3A_36 = arith.constant 0 : i32
    %dma_start3A_37 = arith.constant 0 : i32
    %dma_start3A_38 = tpu.memref_slice %arg2[%dma_start3A_36, %dma_start3A_37] : memref<10000x128xf32, #tpu.memory_space<hbm>> -> memref<10000x128xf32, #tpu.memory_space<hbm>>
    tpu.enqueue_indirect_dma source(%dma_start3A_38 : memref<10000x128xf32, #tpu.memory_space<hbm>>) target(%arg9 : memref<125x128xf32, #tpu.memory_space<vmem>>) offsets(%dma_start3A_35 : memref<125xi32, #tpu.memory_space<vmem>>) semaphore(%arg12 : memref<!tpu.dma_semaphore, #tpu.memory_space<semaphore_mem>>)
    %scan3A_39 = arith.constant 0 : i32
    %scan3A_40 = arith.constant 0 : i32
    %scan3A_41 = arith.constant 40 : i32
    %scan3A_42 = arith.addi %scan3A_40, %scan3A_41 : i32
    %scan3A_43 = arith.constant 1 : i32
    scf.for %scan3A_49 = %scan3A_40 to %scan3A_42 step %scan3A_43  : i32 {
      %jit3A = arith.constant 2 : i32
      %eq3A = arith.constant 0 : i32
      %eq3A_50 = arith.cmpi eq, %jit3A, %eq3A : i32
      %jit3A_51 = arith.constant 1 : i32
      %select_n3A = arith.select %eq3A_50, %jit3A_51, %jit3A : i32
      %rem3A = arith.remsi %scan3A_49, %select_n3A : i32
      %ne3A = arith.constant 0 : i32
      %ne3A_52 = arith.cmpi ne, %rem3A, %ne3A : i32
      %lt3A = arith.constant 0 : i32
      %lt3A_53 = arith.cmpi slt, %rem3A, %lt3A : i32
      %lt3A_54 = arith.constant 0 : i32
      %lt3A_55 = arith.cmpi slt, %select_n3A, %lt3A_54 : i32
      %ne3A_56 = arith.xori %lt3A_53, %lt3A_55 : i1
      %and3A = arith.andi %ne3A_56, %ne3A_52 : i1
      %add3A_57 = arith.addi %rem3A, %select_n3A : i32
      %select_n3A_58 = arith.select %and3A, %add3A_57, %rem3A : i32
      %eq3A_59 = arith.constant 0 : i32
      %eq3A_60 = arith.cmpi eq, %select_n3A_58, %eq3A_59 : i32
      %convert_element_type3A = arith.extui %eq3A_60 : i1 to i32
      %cond3A = arith.constant 0 : i32
      %cond3A_61 = arith.cmpi ne, %convert_element_type3A, %cond3A : i32
      scf.if %cond3A_61 {
        %dma_wait3A = arith.constant 0 : i32
        %dma_wait3A_83 = tpu.memref_slice %arg7[%scan3A_49, %dma_wait3A] : memref<40x125xi32, #tpu.memory_space<vmem>> -> memref<1x125xi32, #tpu.memory_space<vmem>>
        %dma_wait3A_84 = tpu.memref_squeeze %dma_wait3A_83 : memref<1x125xi32, #tpu.memory_space<vmem>> -> memref<125xi32, #tpu.memory_space<vmem>>
        %dma_wait3A_85 = arith.constant 0 : i32
        %dma_wait3A_86 = arith.constant 0 : i32
        %dma_wait3A_87 = tpu.memref_slice %arg2[%dma_wait3A_85, %dma_wait3A_86] : memref<10000x128xf32, #tpu.memory_space<hbm>> -> memref<10000x128xf32, #tpu.memory_space<hbm>>
        tpu.wait_indirect_dma semaphore(%arg12 : memref<!tpu.dma_semaphore, #tpu.memory_space<semaphore_mem>>) src(%dma_wait3A_87 : memref<10000x128xf32, #tpu.memory_space<hbm>>) dst(%arg9 : memref<125x128xf32, #tpu.memory_space<vmem>>)
        %add3A_88 = arith.constant 1 : i32
        %add3A_89 = arith.addi %scan3A_49, %add3A_88 : i32
        %lt3A_90 = arith.constant 40 : i32
        %lt3A_91 = arith.cmpi slt, %add3A_89, %lt3A_90 : i32
        %convert_element_type3A_92 = arith.extui %lt3A_91 : i1 to i32
        %cond3A_93 = arith.constant 0 : i32
        %cond3A_94 = arith.cmpi ne, %convert_element_type3A_92, %cond3A_93 : i32
        scf.if %cond3A_94 {
          %add3A_95 = arith.constant 1 : i32
          %add3A_96 = arith.addi %scan3A_49, %add3A_95 : i32
          %dma_start3A_97 = arith.constant 0 : i32
          %dma_start3A_98 = tpu.memref_slice %arg7[%add3A_96, %dma_start3A_97] : memref<40x125xi32, #tpu.memory_space<vmem>> -> memref<1x125xi32, #tpu.memory_space<vmem>>
          %dma_start3A_99 = tpu.memref_squeeze %dma_start3A_98 : memref<1x125xi32, #tpu.memory_space<vmem>> -> memref<125xi32, #tpu.memory_space<vmem>>
          %dma_start3A_100 = arith.constant 0 : i32
          %dma_start3A_101 = arith.constant 0 : i32
          %dma_start3A_102 = tpu.memref_slice %arg2[%dma_start3A_100, %dma_start3A_101] : memref<10000x128xf32, #tpu.memory_space<hbm>> -> memref<10000x128xf32, #tpu.memory_space<hbm>>
          tpu.enqueue_indirect_dma source(%dma_start3A_102 : memref<10000x128xf32, #tpu.memory_space<hbm>>) target(%arg10 : memref<125x128xf32, #tpu.memory_space<vmem>>) offsets(%dma_start3A_99 : memref<125xi32, #tpu.memory_space<vmem>>) semaphore(%arg13 : memref<!tpu.dma_semaphore, #tpu.memory_space<semaphore_mem>>)
        } else {
        }
        "tpu.region"() ({
          %run_scoped3A = tpu.sem_alloc : memref<!tpu.dma_semaphore, #tpu.memory_space<semaphore_mem>>
          %dma_start3A_95 = arith.constant 0 : i32
          %dma_start3A_96 = tpu.memref_slice %arg8[%scan3A_49, %dma_start3A_95] : memref<40x125xi32, #tpu.memory_space<vmem>> -> memref<1x125xi32, #tpu.memory_space<vmem>>
          %dma_start3A_97 = tpu.memref_squeeze %dma_start3A_96 : memref<1x125xi32, #tpu.memory_space<vmem>> -> memref<125xi32, #tpu.memory_space<vmem>>
          %dma_start3A_98 = arith.constant 0 : i32
          %dma_start3A_99 = arith.constant 0 : i32
          %dma_start3A_100 = tpu.memref_slice %arg11[%dma_start3A_98, %dma_start3A_99] : memref<10240x128xf32, #tpu.memory_space<vmem_shared>> -> memref<10240x128xf32, #tpu.memory_space<vmem_shared>>
          tpu.enqueue_indirect_dma source(%arg9 : memref<125x128xf32, #tpu.memory_space<vmem>>) target(%dma_start3A_100 : memref<10240x128xf32, #tpu.memory_space<vmem_shared>>) offsets(%dma_start3A_97 : memref<125xi32, #tpu.memory_space<vmem>>) semaphore(%run_scoped3A : memref<!tpu.dma_semaphore, #tpu.memory_space<semaphore_mem>>) {add = true}
          %dma_wait3A_101 = arith.constant 0 : i32
          %dma_wait3A_102 = tpu.memref_slice %arg8[%scan3A_49, %dma_wait3A_101] : memref<40x125xi32, #tpu.memory_space<vmem>> -> memref<1x125xi32, #tpu.memory_space<vmem>>
          %dma_wait3A_103 = tpu.memref_squeeze %dma_wait3A_102 : memref<1x125xi32, #tpu.memory_space<vmem>> -> memref<125xi32, #tpu.memory_space<vmem>>
          %dma_wait3A_104 = arith.constant 0 : i32
          %dma_wait3A_105 = arith.constant 0 : i32
          %dma_wait3A_106 = tpu.memref_slice %arg11[%dma_wait3A_104, %dma_wait3A_105] : memref<10240x128xf32, #tpu.memory_space<vmem_shared>> -> memref<10240x128xf32, #tpu.memory_space<vmem_shared>>
          tpu.wait_indirect_dma semaphore(%run_scoped3A : memref<!tpu.dma_semaphore, #tpu.memory_space<semaphore_mem>>) src(%arg9 : memref<125x128xf32, #tpu.memory_space<vmem>>) dst(%dma_wait3A_106 : memref<10240x128xf32, #tpu.memory_space<vmem_shared>>)
          tpu.yield
        }) : () -> ()
      } else {
      }
      %jit3A_62 = arith.constant 2 : i32
      %eq3A_63 = arith.constant 0 : i32
      %eq3A_64 = arith.cmpi eq, %jit3A_62, %eq3A_63 : i32
      %jit3A_65 = arith.constant 1 : i32
      %select_n3A_66 = arith.select %eq3A_64, %jit3A_65, %jit3A_62 : i32
      %rem3A_67 = arith.remsi %scan3A_49, %select_n3A_66 : i32
      %ne3A_68 = arith.constant 0 : i32
      %ne3A_69 = arith.cmpi ne, %rem3A_67, %ne3A_68 : i32
      %lt3A_70 = arith.constant 0 : i32
      %lt3A_71 = arith.cmpi slt, %rem3A_67, %lt3A_70 : i32
      %lt3A_72 = arith.constant 0 : i32
      %lt3A_73 = arith.cmpi slt, %select_n3A_66, %lt3A_72 : i32
      %ne3A_74 = arith.xori %lt3A_71, %lt3A_73 : i1
      %and3A_75 = arith.andi %ne3A_74, %ne3A_69 : i1
      %add3A_76 = arith.addi %rem3A_67, %select_n3A_66 : i32
      %select_n3A_77 = arith.select %and3A_75, %add3A_76, %rem3A_67 : i32
      %eq3A_78 = arith.constant 1 : i32
      %eq3A_79 = arith.cmpi eq, %select_n3A_77, %eq3A_78 : i32
      %convert_element_type3A_80 = arith.extui %eq3A_79 : i1 to i32
      %cond3A_81 = arith.constant 0 : i32
      %cond3A_82 = arith.cmpi ne, %convert_element_type3A_80, %cond3A_81 : i32
      scf.if %cond3A_82 {
        %dma_wait3A = arith.constant 0 : i32
        %dma_wait3A_83 = tpu.memref_slice %arg7[%scan3A_49, %dma_wait3A] : memref<40x125xi32, #tpu.memory_space<vmem>> -> memref<1x125xi32, #tpu.memory_space<vmem>>
        %dma_wait3A_84 = tpu.memref_squeeze %dma_wait3A_83 : memref<1x125xi32, #tpu.memory_space<vmem>> -> memref<125xi32, #tpu.memory_space<vmem>>
        %dma_wait3A_85 = arith.constant 0 : i32
        %dma_wait3A_86 = arith.constant 0 : i32
        %dma_wait3A_87 = tpu.memref_slice %arg2[%dma_wait3A_85, %dma_wait3A_86] : memref<10000x128xf32, #tpu.memory_space<hbm>> -> memref<10000x128xf32, #tpu.memory_space<hbm>>
        tpu.wait_indirect_dma semaphore(%arg13 : memref<!tpu.dma_semaphore, #tpu.memory_space<semaphore_mem>>) src(%dma_wait3A_87 : memref<10000x128xf32, #tpu.memory_space<hbm>>) dst(%arg10 : memref<125x128xf32, #tpu.memory_space<vmem>>)
        %add3A_88 = arith.constant 1 : i32
        %add3A_89 = arith.addi %scan3A_49, %add3A_88 : i32
        %lt3A_90 = arith.constant 40 : i32
        %lt3A_91 = arith.cmpi slt, %add3A_89, %lt3A_90 : i32
        %convert_element_type3A_92 = arith.extui %lt3A_91 : i1 to i32
        %cond3A_93 = arith.constant 0 : i32
        %cond3A_94 = arith.cmpi ne, %convert_element_type3A_92, %cond3A_93 : i32
        scf.if %cond3A_94 {
          %add3A_95 = arith.constant 1 : i32
          %add3A_96 = arith.addi %scan3A_49, %add3A_95 : i32
          %dma_start3A_97 = arith.constant 0 : i32
          %dma_start3A_98 = tpu.memref_slice %arg7[%add3A_96, %dma_start3A_97] : memref<40x125xi32, #tpu.memory_space<vmem>> -> memref<1x125xi32, #tpu.memory_space<vmem>>
          %dma_start3A_99 = tpu.memref_squeeze %dma_start3A_98 : memref<1x125xi32, #tpu.memory_space<vmem>> -> memref<125xi32, #tpu.memory_space<vmem>>
          %dma_start3A_100 = arith.constant 0 : i32
          %dma_start3A_101 = arith.constant 0 : i32
          %dma_start3A_102 = tpu.memref_slice %arg2[%dma_start3A_100, %dma_start3A_101] : memref<10000x128xf32, #tpu.memory_space<hbm>> -> memref<10000x128xf32, #tpu.memory_space<hbm>>
          tpu.enqueue_indirect_dma source(%dma_start3A_102 : memref<10000x128xf32, #tpu.memory_space<hbm>>) target(%arg9 : memref<125x128xf32, #tpu.memory_space<vmem>>) offsets(%dma_start3A_99 : memref<125xi32, #tpu.memory_space<vmem>>) semaphore(%arg12 : memref<!tpu.dma_semaphore, #tpu.memory_space<semaphore_mem>>)
        } else {
        }
        "tpu.region"() ({
          %run_scoped3A = tpu.sem_alloc : memref<!tpu.dma_semaphore, #tpu.memory_space<semaphore_mem>>
          %dma_start3A_95 = arith.constant 0 : i32
          %dma_start3A_96 = tpu.memref_slice %arg8[%scan3A_49, %dma_start3A_95] : memref<40x125xi32, #tpu.memory_space<vmem>> -> memref<1x125xi32, #tpu.memory_space<vmem>>
          %dma_start3A_97 = tpu.memref_squeeze %dma_start3A_96 : memref<1x125xi32, #tpu.memory_space<vmem>> -> memref<125xi32, #tpu.memory_space<vmem>>
          %dma_start3A_98 = arith.constant 0 : i32
          %dma_start3A_99 = arith.constant 0 : i32
          %dma_start3A_100 = tpu.memref_slice %arg11[%dma_start3A_98, %dma_start3A_99] : memref<10240x128xf32, #tpu.memory_space<vmem_shared>> -> memref<10240x128xf32, #tpu.memory_space<vmem_shared>>
          tpu.enqueue_indirect_dma source(%arg10 : memref<125x128xf32, #tpu.memory_space<vmem>>) target(%dma_start3A_100 : memref<10240x128xf32, #tpu.memory_space<vmem_shared>>) offsets(%dma_start3A_97 : memref<125xi32, #tpu.memory_space<vmem>>) semaphore(%run_scoped3A : memref<!tpu.dma_semaphore, #tpu.memory_space<semaphore_mem>>) {add = true}
          %dma_wait3A_101 = arith.constant 0 : i32
          %dma_wait3A_102 = tpu.memref_slice %arg8[%scan3A_49, %dma_wait3A_101] : memref<40x125xi32, #tpu.memory_space<vmem>> -> memref<1x125xi32, #tpu.memory_space<vmem>>
          %dma_wait3A_103 = tpu.memref_squeeze %dma_wait3A_102 : memref<1x125xi32, #tpu.memory_space<vmem>> -> memref<125xi32, #tpu.memory_space<vmem>>
          %dma_wait3A_104 = arith.constant 0 : i32
          %dma_wait3A_105 = arith.constant 0 : i32
          %dma_wait3A_106 = tpu.memref_slice %arg11[%dma_wait3A_104, %dma_wait3A_105] : memref<10240x128xf32, #tpu.memory_space<vmem_shared>> -> memref<10240x128xf32, #tpu.memory_space<vmem_shared>>
          tpu.wait_indirect_dma semaphore(%run_scoped3A : memref<!tpu.dma_semaphore, #tpu.memory_space<semaphore_mem>>) src(%arg10 : memref<125x128xf32, #tpu.memory_space<vmem>>) dst(%dma_wait3A_106 : memref<10240x128xf32, #tpu.memory_space<vmem_shared>>)
          tpu.yield
        }) : () -> ()
      } else {
      }
    }
    %scan3A_44 = arith.constant 40 : i32
    %barrier3A_45 = arith.constant 0 : index
    tpu.barrier barrier_id(%barrier3A_45)
    %mul3A_46 = arith.constant 10240 : i32
    %mul3A_47 = arith.muli %arg0, %mul3A_46 : i32
    %add3A_48 = arith.addi %mul3A_47, %mul3A_2 : i32
    "tpu.region"() ({
      %run_scoped3A = tpu.sem_alloc : memref<!tpu.dma_semaphore, #tpu.memory_space<semaphore_mem>>
      %dma_start3A_49 = arith.constant 0 : i32
      %dma_start3A_50 = tpu.memref_slice %arg6[%add3A_48, %dma_start3A_49] : memref<20480x128xf32, #tpu.memory_space<hbm>> -> memref<640x128xf32, #tpu.memory_space<hbm>>
      %dma_start3A_51 = arith.constant 0 : i32
      %dma_start3A_52 = tpu.memref_slice %arg11[%mul3A_2, %dma_start3A_51] : memref<10240x128xf32, #tpu.memory_space<vmem_shared>> -> memref<640x128xf32, #tpu.memory_space<vmem_shared>>
      tpu.enqueue_dma source(%dma_start3A_52 : memref<640x128xf32, #tpu.memory_space<vmem_shared>>) target(%dma_start3A_50 : memref<640x128xf32, #tpu.memory_space<hbm>>) target_semaphore(%run_scoped3A : memref<!tpu.dma_semaphore, #tpu.memory_space<semaphore_mem>>)
      %dma_wait3A = arith.constant 0 : i32
      %dma_wait3A_53 = tpu.memref_slice %arg6[%add3A_48, %dma_wait3A] : memref<20480x128xf32, #tpu.memory_space<hbm>> -> memref<640x128xf32, #tpu.memory_space<hbm>>
      %dma_wait3A_54 = arith.constant 0 : i32
      %dma_wait3A_55 = tpu.memref_slice %arg11[%mul3A_2, %dma_wait3A_54] : memref<10240x128xf32, #tpu.memory_space<vmem_shared>> -> memref<640x128xf32, #tpu.memory_space<vmem_shared>>
      tpu.wait_dma2 semaphore(%run_scoped3A : memref<!tpu.dma_semaphore, #tpu.memory_space<semaphore_mem>>) src(%dma_wait3A_55 : memref<640x128xf32, #tpu.memory_space<vmem_shared>>) dst(%dma_wait3A_53 : memref<640x128xf32, #tpu.memory_space<hbm>>)
      tpu.yield
    }) : () -> ()
    return
  }
}

module attributes {stable_mosaic.version = 14 : i64} {
  func.func @_rgcn_dense_body(%arg0: i32, %arg1: memref<1000x128xf32, #tpu.memory_space<vmem>>, %arg2: memref<1000x128xf32, #tpu.memory_space<vmem>>, %arg3: memref<1000x1xf32, #tpu.memory_space<vmem>>, %arg4: memref<1000x128xf32, #tpu.memory_space<vmem>>, %arg5: memref<128x128xf32, #tpu.memory_space<vmem>>, %arg6: memref<128x128xf32, #tpu.memory_space<vmem>>, %arg7: memref<1x128xf32, #tpu.memory_space<vmem>>, %arg8: memref<1000x128xf32, #tpu.memory_space<vmem>>) attributes {dimension_semantics = [#tpu.dimension_semantics<arbitrary>], iteration_bounds = array<i64: 10>, scalar_prefetch = 0 : i64, scratch_operands = 0 : i64, tpu.core_type = #tpu.core_type<tc>, window_params = [{transform_indices = @transform_0, window_bounds = array<i64: 1000, 128>}, {transform_indices = @transform_1, window_bounds = array<i64: 1000, 128>}, {transform_indices = @transform_2, window_bounds = array<i64: 1000, 1>}, {transform_indices = @transform_3, window_bounds = array<i64: 1000, 128>}, {pipeline_mode = #tpu.pipeline_mode<synchronous>, transform_indices = @transform_4, window_bounds = array<i64: 128, 128>}, {pipeline_mode = #tpu.pipeline_mode<synchronous>, transform_indices = @transform_5, window_bounds = array<i64: 128, 128>}, {pipeline_mode = #tpu.pipeline_mode<synchronous>, transform_indices = @transform_6, window_bounds = array<i64: 1, 128>}, {transform_indices = @transform_7, window_bounds = array<i64: 1000, 128>}]} {
    %get3A = arith.constant 0 : index
    %get3A_0 = arith.constant 0 : index
    %get3A_1 = vector.load %arg3[%get3A, %get3A_0] : memref<1000x1xf32, #tpu.memory_space<vmem>>, vector<1000x1xf32>
    %max3A = arith.constant 1.000000e+00 : f32
    %max3A_2 = vector.broadcast %max3A : f32 to vector<1000x1xf32>
    %max3A_3 = arith.maximumf %get3A_1, %max3A_2 : vector<1000x1xf32>
    %get3A_4 = arith.constant 0 : index
    %get3A_5 = arith.constant 0 : index
    %get3A_6 = vector.load %arg1[%get3A_4, %get3A_5] : memref<1000x128xf32, #tpu.memory_space<vmem>>, vector<1000x128xf32>
    %get3A_7 = arith.constant 0 : index
    %get3A_8 = arith.constant 0 : index
    %get3A_9 = vector.load %arg2[%get3A_7, %get3A_8] : memref<1000x128xf32, #tpu.memory_space<vmem>>, vector<1000x128xf32>
    %add3A = arith.addf %get3A_6, %get3A_9 : vector<1000x128xf32>
    %div3A = vector.broadcast %max3A_3 : vector<1000x1xf32> to vector<1000x128xf32>
    %div3A_10 = arith.divf %add3A, %div3A : vector<1000x128xf32>
    %get3A_11 = arith.constant 0 : index
    %get3A_12 = arith.constant 0 : index
    %get3A_13 = vector.load %arg5[%get3A_11, %get3A_12] : memref<128x128xf32, #tpu.memory_space<vmem>>, vector<128x128xf32>
    %dot_general3A = arith.constant dense<0.000000e+00> : vector<1000x128xf32>
    %dot_general3A_14 = tpu.matmul %div3A_10, %get3A_13, %dot_general3A {dimension_numbers = #tpu.dot_dimension_numbers<[1], [0], [0], [1], [0, 0, 1, 1], [], []>, transpose_lhs_hint = false} : vector<1000x128xf32>, vector<128x128xf32>, vector<1000x128xf32> -> vector<1000x128xf32>
    %get3A_15 = arith.constant 0 : index
    %get3A_16 = arith.constant 0 : index
    %get3A_17 = vector.load %arg4[%get3A_15, %get3A_16] : memref<1000x128xf32, #tpu.memory_space<vmem>>, vector<1000x128xf32>
    %get3A_18 = arith.constant 0 : index
    %get3A_19 = arith.constant 0 : index
    %get3A_20 = vector.load %arg6[%get3A_18, %get3A_19] : memref<128x128xf32, #tpu.memory_space<vmem>>, vector<128x128xf32>
    %dot_general3A_21 = arith.constant dense<0.000000e+00> : vector<1000x128xf32>
    %dot_general3A_22 = tpu.matmul %get3A_17, %get3A_20, %dot_general3A_21 {dimension_numbers = #tpu.dot_dimension_numbers<[1], [0], [0], [1], [0, 0, 1, 1], [], []>, transpose_lhs_hint = false} : vector<1000x128xf32>, vector<128x128xf32>, vector<1000x128xf32> -> vector<1000x128xf32>
    %add3A_23 = arith.addf %dot_general3A_14, %dot_general3A_22 : vector<1000x128xf32>
    %get3A_24 = arith.constant 0 : index
    %get3A_25 = arith.constant 0 : index
    %get3A_26 = vector.load %arg7[%get3A_24, %get3A_25] : memref<1x128xf32, #tpu.memory_space<vmem>>, vector<1x128xf32>
    %add3A_27 = vector.broadcast %get3A_26 : vector<1x128xf32> to vector<1000x128xf32>
    %add3A_28 = arith.addf %add3A_23, %add3A_27 : vector<1000x128xf32>
    %max3A_29 = arith.constant 0.000000e+00 : f32
    %max3A_30 = vector.broadcast %max3A_29 : f32 to vector<1000x128xf32>
    %max3A_31 = arith.maximumf %add3A_28, %max3A_30 : vector<1000x128xf32>
    %swap3A = arith.constant 0 : index
    %swap3A_32 = arith.constant 0 : index
    %swap3A_33 = vector.load %arg8[%swap3A, %swap3A_32] : memref<1000x128xf32, #tpu.memory_space<vmem>>, vector<1000x128xf32>
    tpu.vector_store %arg8[%swap3A, %swap3A_32], %max3A_31 {strides = array<i32>} : memref<1000x128xf32, #tpu.memory_space<vmem>>, vector<1000x128xf32>,
    return
  }
  func.func @transform_0(%arg0: i32) -> (i32, i32) {
    %c0_i32 = arith.constant 0 : i32
    %c0_i32_0 = arith.constant 0 : i32
    return %arg0, %c0_i32 : i32, i32
  }
  func.func @transform_1(%arg0: i32) -> (i32, i32) {
    %c0_i32 = arith.constant 0 : i32
    %c0_i32_0 = arith.constant 0 : i32
    return %arg0, %c0_i32 : i32, i32
  }
  func.func @transform_2(%arg0: i32) -> (i32, i32) {
    %c0_i32 = arith.constant 0 : i32
    %c0_i32_0 = arith.constant 0 : i32
    return %arg0, %c0_i32 : i32, i32
  }
  func.func @transform_3(%arg0: i32) -> (i32, i32) {
    %c0_i32 = arith.constant 0 : i32
    %c0_i32_0 = arith.constant 0 : i32
    return %arg0, %c0_i32 : i32, i32
  }
  func.func @transform_4(%arg0: i32) -> (i32, i32) {
    %c0_i32 = arith.constant 0 : i32
    %c0_i32_0 = arith.constant 0 : i32
    %c0_i32_1 = arith.constant 0 : i32
    return %c0_i32, %c0_i32_0 : i32, i32
  }
  func.func @transform_5(%arg0: i32) -> (i32, i32) {
    %c0_i32 = arith.constant 0 : i32
    %c0_i32_0 = arith.constant 0 : i32
    %c0_i32_1 = arith.constant 0 : i32
    return %c0_i32, %c0_i32_0 : i32, i32
  }
  func.func @transform_6(%arg0: i32) -> (i32, i32) {
    %c0_i32 = arith.constant 0 : i32
    %c0_i32_0 = arith.constant 0 : i32
    %c0_i32_1 = arith.constant 0 : i32
    return %c0_i32, %c0_i32_0 : i32, i32
  }
  func.func @transform_7(%arg0: i32) -> (i32, i32) {
    %c0_i32 = arith.constant 0 : i32
    %c0_i32_0 = arith.constant 0 : i32
    return %arg0, %c0_i32 : i32, i32
  }
}

module attributes {stable_mosaic.version = 14 : i64} {
  func.func @_pool_body(%arg0: i32, %arg1: memref<1000x128xf32, #tpu.memory_space<vmem>>, %arg2: memref<1000x128xf32, #tpu.memory_space<vmem>>, %arg3: memref<1000x1xf32, #tpu.memory_space<vmem>>, %arg4: memref<1000x128xf32, #tpu.memory_space<vmem>>, %arg5: memref<128x128xf32, #tpu.memory_space<vmem>>, %arg6: memref<128x128xf32, #tpu.memory_space<vmem>>, %arg7: memref<1x128xf32, #tpu.memory_space<vmem>>, %arg8: memref<1x1x1000xi32, #tpu.memory_space<vmem>>, %arg9: memref<128x128xf32, #tpu.memory_space<vmem>>, %arg10: memref<1x128xf32, #tpu.memory_space<vmem>>, %arg11: memref<128x128xf32, #tpu.memory_space<vmem>>, %arg12: memref<1x128xf32, #tpu.memory_space<vmem>>, %arg13: memref<128x128xf32, #tpu.memory_space<vmem>>, %arg14: memref<1x128xf32, #tpu.memory_space<vmem>>, %arg15: memref<64x128xf32, #tpu.memory_space<vmem>>, %arg16: memref<64x128xf32, #tpu.memory_space<vmem>>, %arg17: memref<64x128xf32, #tpu.memory_space<vmem>>, %arg18: memref<64x128xf32, #tpu.memory_space<vmem>>, %arg19: memref<64x128xf32, #tpu.memory_space<vmem>>) attributes {dimension_semantics = [#tpu.dimension_semantics<arbitrary>], iteration_bounds = array<i64: 10>, scalar_prefetch = 0 : i64, scratch_operands = 2 : i64, tpu.core_type = #tpu.core_type<tc>, window_params = [{transform_indices = @transform_0, window_bounds = array<i64: 1000, 128>}, {transform_indices = @transform_1, window_bounds = array<i64: 1000, 128>}, {transform_indices = @transform_2, window_bounds = array<i64: 1000, 1>}, {transform_indices = @transform_3, window_bounds = array<i64: 1000, 128>}, {pipeline_mode = #tpu.pipeline_mode<synchronous>, transform_indices = @transform_4, window_bounds = array<i64: 128, 128>}, {pipeline_mode = #tpu.pipeline_mode<synchronous>, transform_indices = @transform_5, window_bounds = array<i64: 128, 128>}, {pipeline_mode = #tpu.pipeline_mode<synchronous>, transform_indices = @transform_6, window_bounds = array<i64: 1, 128>}, {transform_indices = @transform_7, window_bounds = array<i64: 1, 1, 1000>}, {pipeline_mode = #tpu.pipeline_mode<synchronous>, transform_indices = @transform_8, window_bounds = array<i64: 128, 128>}, {pipeline_mode = #tpu.pipeline_mode<synchronous>, transform_indices = @transform_9, window_bounds = array<i64: 1, 128>}, {pipeline_mode = #tpu.pipeline_mode<synchronous>, transform_indices = @transform_10, window_bounds = array<i64: 128, 128>}, {pipeline_mode = #tpu.pipeline_mode<synchronous>, transform_indices = @transform_11, window_bounds = array<i64: 1, 128>}, {pipeline_mode = #tpu.pipeline_mode<synchronous>, transform_indices = @transform_12, window_bounds = array<i64: 128, 128>}, {pipeline_mode = #tpu.pipeline_mode<synchronous>, transform_indices = @transform_13, window_bounds = array<i64: 1, 128>}, {pipeline_mode = #tpu.pipeline_mode<synchronous>, transform_indices = @transform_14, window_bounds = array<i64: 64, 128>}, {pipeline_mode = #tpu.pipeline_mode<synchronous>, transform_indices = @transform_15, window_bounds = array<i64: 64, 128>}, {pipeline_mode = #tpu.pipeline_mode<synchronous>, transform_indices = @transform_16, window_bounds = array<i64: 64, 128>}]} {
    %get3A = arith.constant 0 : index
    %get3A_0 = arith.constant 0 : index
    %get3A_1 = vector.load %arg3[%get3A, %get3A_0] : memref<1000x1xf32, #tpu.memory_space<vmem>>, vector<1000x1xf32>
    %max3A = arith.constant 1.000000e+00 : f32
    %max3A_2 = vector.broadcast %max3A : f32 to vector<1000x1xf32>
    %max3A_3 = arith.maximumf %get3A_1, %max3A_2 : vector<1000x1xf32>
    %get3A_4 = arith.constant 0 : index
    %get3A_5 = arith.constant 0 : index
    %get3A_6 = vector.load %arg1[%get3A_4, %get3A_5] : memref<1000x128xf32, #tpu.memory_space<vmem>>, vector<1000x128xf32>
    %get3A_7 = arith.constant 0 : index
    %get3A_8 = arith.constant 0 : index
    %get3A_9 = vector.load %arg2[%get3A_7, %get3A_8] : memref<1000x128xf32, #tpu.memory_space<vmem>>, vector<1000x128xf32>
    %add3A = arith.addf %get3A_6, %get3A_9 : vector<1000x128xf32>
    %div3A = vector.broadcast %max3A_3 : vector<1000x1xf32> to vector<1000x128xf32>
    %div3A_10 = arith.divf %add3A, %div3A : vector<1000x128xf32>
    %get3A_11 = arith.constant 0 : index
    %get3A_12 = arith.constant 0 : index
    %get3A_13 = vector.load %arg5[%get3A_11, %get3A_12] : memref<128x128xf32, #tpu.memory_space<vmem>>, vector<128x128xf32>
    %dot_general3A = arith.constant dense<0.000000e+00> : vector<1000x128xf32>
    %dot_general3A_14 = tpu.matmul %div3A_10, %get3A_13, %dot_general3A {dimension_numbers = #tpu.dot_dimension_numbers<[1], [0], [0], [1], [0, 0, 1, 1], [], []>, transpose_lhs_hint = false} : vector<1000x128xf32>, vector<128x128xf32>, vector<1000x128xf32> -> vector<1000x128xf32>
    %get3A_15 = arith.constant 0 : index
    %get3A_16 = arith.constant 0 : index
    %get3A_17 = vector.load %arg4[%get3A_15, %get3A_16] : memref<1000x128xf32, #tpu.memory_space<vmem>>, vector<1000x128xf32>
    %get3A_18 = arith.constant 0 : index
    %get3A_19 = arith.constant 0 : index
    %get3A_20 = vector.load %arg6[%get3A_18, %get3A_19] : memref<128x128xf32, #tpu.memory_space<vmem>>, vector<128x128xf32>
    %dot_general3A_21 = arith.constant dense<0.000000e+00> : vector<1000x128xf32>
    %dot_general3A_22 = tpu.matmul %get3A_17, %get3A_20, %dot_general3A_21 {dimension_numbers = #tpu.dot_dimension_numbers<[1], [0], [0], [1], [0, 0, 1, 1], [], []>, transpose_lhs_hint = false} : vector<1000x128xf32>, vector<128x128xf32>, vector<1000x128xf32> -> vector<1000x128xf32>
    %add3A_23 = arith.addf %dot_general3A_14, %dot_general3A_22 : vector<1000x128xf32>
    %get3A_24 = arith.constant 0 : index
    %get3A_25 = arith.constant 0 : index
    %get3A_26 = vector.load %arg7[%get3A_24, %get3A_25] : memref<1x128xf32, #tpu.memory_space<vmem>>, vector<1x128xf32>
    %add3A_27 = vector.broadcast %get3A_26 : vector<1x128xf32> to vector<1000x128xf32>
    %add3A_28 = arith.addf %add3A_23, %add3A_27 : vector<1000x128xf32>
    %max3A_29 = arith.constant 0.000000e+00 : f32
    %max3A_30 = vector.broadcast %max3A_29 : f32 to vector<1000x128xf32>
    %max3A_31 = arith.maximumf %add3A_28, %max3A_30 : vector<1000x128xf32>
    %get3A_32 = arith.constant 0 : index
    %get3A_33 = arith.constant 0 : index
    %get3A_34 = arith.constant 0 : index
    %get3A_35 = vector.load %arg8[%get3A_32, %get3A_33, %get3A_34] : memref<1x1x1000xi32, #tpu.memory_space<vmem>>, vector<1x1x1000xi32>
    %reshape3A = vector.shape_cast %get3A_35 : vector<1x1x1000xi32> to vector<1x1000xi32>
    %iota3A = tpu.iota {dimensions = array<i32: 0>} : vector<64x1000xi32>
    %eq3A = vector.broadcast %reshape3A : vector<1x1000xi32> to vector<64x1000xi32>
    %eq3A_36 = arith.cmpi eq, %iota3A, %eq3A : vector<64x1000xi32>
    %convert_element_type3A = arith.extui %eq3A_36 : vector<64x1000xi1> to vector<64x1000xi32>
    %convert_element_type3A_37 = arith.sitofp %convert_element_type3A : vector<64x1000xi32> to vector<64x1000xf32>
    %dot_general3A_38 = arith.constant dense<0.000000e+00> : vector<64x128xf32>
    %dot_general3A_39 = tpu.matmul %convert_element_type3A_37, %max3A_31, %dot_general3A_38 {dimension_numbers = #tpu.dot_dimension_numbers<[1], [0], [0], [1], [0, 0, 1, 1], [], []>, transpose_lhs_hint = false} : vector<64x1000xf32>, vector<1000x128xf32>, vector<64x128xf32> -> vector<64x128xf32>
    %reduce_sum3A = arith.constant dense<0.000000e+00> : vector<64xf32>
    %reduce_sum3A_40 = vector.multi_reduction <add>, %convert_element_type3A_37, %reduce_sum3A [1] : vector<64x1000xf32> to vector<64xf32>
    %broadcast_in_dim3A = vector.shape_cast %reduce_sum3A_40 : vector<64xf32> to vector<64x1xf32>
    %broadcast_in_dim3A_41 = vector.shape_cast %broadcast_in_dim3A : vector<64x1xf32> to vector<64x1xf32>
    %broadcast_in_dim3A_42 = vector.broadcast %broadcast_in_dim3A_41 : vector<64x1xf32> to vector<64x128xf32>
    %eq3A_43 = arith.constant 0 : i32
    %eq3A_44 = arith.cmpi eq, %arg0, %eq3A_43 : i32
    %convert_element_type3A_45 = arith.extui %eq3A_44 : i1 to i32
    %cond3A = arith.constant 0 : i32
    %cond3A_46 = arith.cmpi ne, %convert_element_type3A_45, %cond3A : i32
    scf.if %cond3A_46 {
      %swap3A = arith.constant 0 : index
      %swap3A_56 = arith.constant 0 : index
      %swap3A_57 = vector.load %arg18[%swap3A, %swap3A_56] : memref<64x128xf32, #tpu.memory_space<vmem>>, vector<64x128xf32>
      tpu.vector_store %arg18[%swap3A, %swap3A_56], %dot_general3A_39 {strides = array<i32>} : memref<64x128xf32, #tpu.memory_space<vmem>>, vector<64x128xf32>,
      %swap3A_58 = arith.constant 0 : index
      %swap3A_59 = arith.constant 0 : index
      %swap3A_60 = vector.load %arg19[%swap3A_58, %swap3A_59] : memref<64x128xf32, #tpu.memory_space<vmem>>, vector<64x128xf32>
      tpu.vector_store %arg19[%swap3A_58, %swap3A_59], %broadcast_in_dim3A_42 {strides = array<i32>} : memref<64x128xf32, #tpu.memory_space<vmem>>, vector<64x128xf32>,
    } else {
    }
    %ne3A = arith.constant 0 : i32
    %ne3A_47 = arith.cmpi ne, %arg0, %ne3A : i32
    %convert_element_type3A_48 = arith.extui %ne3A_47 : i1 to i32
    %cond3A_49 = arith.constant 0 : i32
    %cond3A_50 = arith.cmpi ne, %convert_element_type3A_48, %cond3A_49 : i32
    scf.if %cond3A_50 {
      %get3A_56 = arith.constant 0 : index
      %get3A_57 = arith.constant 0 : index
      %get3A_58 = vector.load %arg18[%get3A_56, %get3A_57] : memref<64x128xf32, #tpu.memory_space<vmem>>, vector<64x128xf32>
      %add3A_59 = arith.addf %get3A_58, %dot_general3A_39 : vector<64x128xf32>
      %swap3A = arith.constant 0 : index
      %swap3A_60 = arith.constant 0 : index
      %swap3A_61 = vector.load %arg18[%swap3A, %swap3A_60] : memref<64x128xf32, #tpu.memory_space<vmem>>, vector<64x128xf32>
      tpu.vector_store %arg18[%swap3A, %swap3A_60], %add3A_59 {strides = array<i32>} : memref<64x128xf32, #tpu.memory_space<vmem>>, vector<64x128xf32>,
      %get3A_62 = arith.constant 0 : index
      %get3A_63 = arith.constant 0 : index
      %get3A_64 = vector.load %arg19[%get3A_62, %get3A_63] : memref<64x128xf32, #tpu.memory_space<vmem>>, vector<64x128xf32>
      %add3A_65 = arith.addf %get3A_64, %broadcast_in_dim3A_42 : vector<64x128xf32>
      %swap3A_66 = arith.constant 0 : index
      %swap3A_67 = arith.constant 0 : index
      %swap3A_68 = vector.load %arg19[%swap3A_66, %swap3A_67] : memref<64x128xf32, #tpu.memory_space<vmem>>, vector<64x128xf32>
      tpu.vector_store %arg19[%swap3A_66, %swap3A_67], %add3A_65 {strides = array<i32>} : memref<64x128xf32, #tpu.memory_space<vmem>>, vector<64x128xf32>,
    } else {
    }
    %eq3A_51 = arith.constant 9 : i32
    %eq3A_52 = arith.cmpi eq, %arg0, %eq3A_51 : i32
    %convert_element_type3A_53 = arith.extui %eq3A_52 : i1 to i32
    %cond3A_54 = arith.constant 0 : i32
    %cond3A_55 = arith.cmpi ne, %convert_element_type3A_53, %cond3A_54 : i32
    scf.if %cond3A_55 {
      %get3A_56 = arith.constant 0 : index
      %get3A_57 = arith.constant 0 : index
      %get3A_58 = vector.load %arg18[%get3A_56, %get3A_57] : memref<64x128xf32, #tpu.memory_space<vmem>>, vector<64x128xf32>
      %get3A_59 = arith.constant 0 : index
      %get3A_60 = arith.constant 0 : index
      %get3A_61 = vector.load %arg19[%get3A_59, %get3A_60] : memref<64x128xf32, #tpu.memory_space<vmem>>, vector<64x128xf32>
      %max3A_62 = arith.constant 1.000000e+00 : f32
      %max3A_63 = vector.broadcast %max3A_62 : f32 to vector<64x128xf32>
      %max3A_64 = arith.maximumf %get3A_61, %max3A_63 : vector<64x128xf32>
      %div3A_65 = arith.divf %get3A_58, %max3A_64 : vector<64x128xf32>
      %get3A_66 = arith.constant 0 : index
      %get3A_67 = arith.constant 0 : index
      %get3A_68 = vector.load %arg9[%get3A_66, %get3A_67] : memref<128x128xf32, #tpu.memory_space<vmem>>, vector<128x128xf32>
      %dot_general3A_69 = arith.constant dense<0.000000e+00> : vector<64x128xf32>
      %dot_general3A_70 = tpu.matmul %div3A_65, %get3A_68, %dot_general3A_69 {dimension_numbers = #tpu.dot_dimension_numbers<[1], [0], [0], [1], [0, 0, 1, 1], [], []>, transpose_lhs_hint = false} : vector<64x128xf32>, vector<128x128xf32>, vector<64x128xf32> -> vector<64x128xf32>
      %get3A_71 = arith.constant 0 : index
      %get3A_72 = arith.constant 0 : index
      %get3A_73 = vector.load %arg10[%get3A_71, %get3A_72] : memref<1x128xf32, #tpu.memory_space<vmem>>, vector<1x128xf32>
      %add3A_74 = vector.broadcast %get3A_73 : vector<1x128xf32> to vector<64x128xf32>
      %add3A_75 = arith.addf %dot_general3A_70, %add3A_74 : vector<64x128xf32>
      %get3A_76 = arith.constant 0 : index
      %get3A_77 = arith.constant 0 : index
      %get3A_78 = vector.load %arg11[%get3A_76, %get3A_77] : memref<128x128xf32, #tpu.memory_space<vmem>>, vector<128x128xf32>
      %dot_general3A_79 = arith.constant dense<0.000000e+00> : vector<64x128xf32>
      %dot_general3A_80 = tpu.matmul %div3A_65, %get3A_78, %dot_general3A_79 {dimension_numbers = #tpu.dot_dimension_numbers<[1], [0], [0], [1], [0, 0, 1, 1], [], []>, transpose_lhs_hint = false} : vector<64x128xf32>, vector<128x128xf32>, vector<64x128xf32> -> vector<64x128xf32>
      %get3A_81 = arith.constant 0 : index
      %get3A_82 = arith.constant 0 : index
      %get3A_83 = vector.load %arg12[%get3A_81, %get3A_82] : memref<1x128xf32, #tpu.memory_space<vmem>>, vector<1x128xf32>
      %add3A_84 = vector.broadcast %get3A_83 : vector<1x128xf32> to vector<64x128xf32>
      %add3A_85 = arith.addf %dot_general3A_80, %add3A_84 : vector<64x128xf32>
      %get3A_86 = arith.constant 0 : index
      %get3A_87 = arith.constant 0 : index
      %get3A_88 = vector.load %arg13[%get3A_86, %get3A_87] : memref<128x128xf32, #tpu.memory_space<vmem>>, vector<128x128xf32>
      %dot_general3A_89 = arith.constant dense<0.000000e+00> : vector<64x128xf32>
      %dot_general3A_90 = tpu.matmul %add3A_75, %get3A_88, %dot_general3A_89 {dimension_numbers = #tpu.dot_dimension_numbers<[1], [0], [0], [1], [0, 0, 1, 1], [], []>, transpose_lhs_hint = false} : vector<64x128xf32>, vector<128x128xf32>, vector<64x128xf32> -> vector<64x128xf32>
      %get3A_91 = arith.constant 0 : index
      %get3A_92 = arith.constant 0 : index
      %get3A_93 = vector.load %arg14[%get3A_91, %get3A_92] : memref<1x128xf32, #tpu.memory_space<vmem>>, vector<1x128xf32>
      %add3A_94 = vector.broadcast %get3A_93 : vector<1x128xf32> to vector<64x128xf32>
      %add3A_95 = arith.addf %dot_general3A_90, %add3A_94 : vector<64x128xf32>
      %reduce_max3A = arith.constant dense<0xFF800000> : vector<64xf32>
      %reduce_max3A_96 = vector.multi_reduction <maximumf>, %add3A_95, %reduce_max3A [1] : vector<64x128xf32> to vector<64xf32>
      %broadcast_in_dim3A_97 = vector.shape_cast %reduce_max3A_96 : vector<64xf32> to vector<64x1xf32>
      %sub3A = vector.broadcast %broadcast_in_dim3A_97 : vector<64x1xf32> to vector<64x128xf32>
      %sub3A_98 = arith.subf %add3A_95, %sub3A : vector<64x128xf32>
      %exp3A = math.exp %sub3A_98 : vector<64x128xf32>
      %reduce_sum3A_99 = arith.constant dense<0.000000e+00> : vector<64xf32>
      %reduce_sum3A_100 = vector.multi_reduction <add>, %exp3A, %reduce_sum3A_99 [1] : vector<64x128xf32> to vector<64xf32>
      %broadcast_in_dim3A_101 = vector.shape_cast %reduce_sum3A_100 : vector<64xf32> to vector<64x1xf32>
      %log3A = math.log %broadcast_in_dim3A_101 : vector<64x1xf32>
      %add3A_102 = arith.addf %log3A, %broadcast_in_dim3A_97 : vector<64x1xf32>
      %sub3A_103 = vector.broadcast %add3A_102 : vector<64x1xf32> to vector<64x128xf32>
      %sub3A_104 = arith.subf %add3A_95, %sub3A_103 : vector<64x128xf32>
      %swap3A = arith.constant 0 : index
      %swap3A_105 = arith.constant 0 : index
      %swap3A_106 = vector.load %arg15[%swap3A, %swap3A_105] : memref<64x128xf32, #tpu.memory_space<vmem>>, vector<64x128xf32>
      tpu.vector_store %arg15[%swap3A, %swap3A_105], %sub3A_104 {strides = array<i32>} : memref<64x128xf32, #tpu.memory_space<vmem>>, vector<64x128xf32>,
      %swap3A_107 = arith.constant 0 : index
      %swap3A_108 = arith.constant 0 : index
      %swap3A_109 = vector.load %arg16[%swap3A_107, %swap3A_108] : memref<64x128xf32, #tpu.memory_space<vmem>>, vector<64x128xf32>
      tpu.vector_store %arg16[%swap3A_107, %swap3A_108], %add3A_75 {strides = array<i32>} : memref<64x128xf32, #tpu.memory_space<vmem>>, vector<64x128xf32>,
      %swap3A_110 = arith.constant 0 : index
      %swap3A_111 = arith.constant 0 : index
      %swap3A_112 = vector.load %arg17[%swap3A_110, %swap3A_111] : memref<64x128xf32, #tpu.memory_space<vmem>>, vector<64x128xf32>
      tpu.vector_store %arg17[%swap3A_110, %swap3A_111], %add3A_85 {strides = array<i32>} : memref<64x128xf32, #tpu.memory_space<vmem>>, vector<64x128xf32>,
    } else {
    }
    return
  }
  func.func @transform_0(%arg0: i32) -> (i32, i32) {
    %c0_i32 = arith.constant 0 : i32
    %c0_i32_0 = arith.constant 0 : i32
    return %arg0, %c0_i32 : i32, i32
  }
  func.func @transform_1(%arg0: i32) -> (i32, i32) {
    %c0_i32 = arith.constant 0 : i32
    %c0_i32_0 = arith.constant 0 : i32
    return %arg0, %c0_i32 : i32, i32
  }
  func.func @transform_2(%arg0: i32) -> (i32, i32) {
    %c0_i32 = arith.constant 0 : i32
    %c0_i32_0 = arith.constant 0 : i32
    return %arg0, %c0_i32 : i32, i32
  }
  func.func @transform_3(%arg0: i32) -> (i32, i32) {
    %c0_i32 = arith.constant 0 : i32
    %c0_i32_0 = arith.constant 0 : i32
    return %arg0, %c0_i32 : i32, i32
  }
  func.func @transform_4(%arg0: i32) -> (i32, i32) {
    %c0_i32 = arith.constant 0 : i32
    %c0_i32_0 = arith.constant 0 : i32
    %c0_i32_1 = arith.constant 0 : i32
    return %c0_i32, %c0_i32_0 : i32, i32
  }
  func.func @transform_5(%arg0: i32) -> (i32, i32) {
    %c0_i32 = arith.constant 0 : i32
    %c0_i32_0 = arith.constant 0 : i32
    %c0_i32_1 = arith.constant 0 : i32
    return %c0_i32, %c0_i32_0 : i32, i32
  }
  func.func @transform_6(%arg0: i32) -> (i32, i32) {
    %c0_i32 = arith.constant 0 : i32
    %c0_i32_0 = arith.constant 0 : i32
    %c0_i32_1 = arith.constant 0 : i32
    return %c0_i32, %c0_i32_0 : i32, i32
  }
  func.func @transform_7(%arg0: i32) -> (i32, i32, i32) {
    %c0_i32 = arith.constant 0 : i32
    %c0_i32_0 = arith.constant 0 : i32
    %c0_i32_1 = arith.constant 0 : i32
    return %arg0, %c0_i32, %c0_i32_0 : i32, i32, i32
  }
  func.func @transform_8(%arg0: i32) -> (i32, i32) {
    %c0_i32 = arith.constant 0 : i32
    %c0_i32_0 = arith.constant 0 : i32
    %c0_i32_1 = arith.constant 0 : i32
    return %c0_i32, %c0_i32_0 : i32, i32
  }
  func.func @transform_9(%arg0: i32) -> (i32, i32) {
    %c0_i32 = arith.constant 0 : i32
    %c0_i32_0 = arith.constant 0 : i32
    %c0_i32_1 = arith.constant 0 : i32
    return %c0_i32, %c0_i32_0 : i32, i32
  }
  func.func @transform_10(%arg0: i32) -> (i32, i32) {
    %c0_i32 = arith.constant 0 : i32
    %c0_i32_0 = arith.constant 0 : i32
    %c0_i32_1 = arith.constant 0 : i32
    return %c0_i32, %c0_i32_0 : i32, i32
  }
  func.func @transform_11(%arg0: i32) -> (i32, i32) {
    %c0_i32 = arith.constant 0 : i32
    %c0_i32_0 = arith.constant 0 : i32
    %c0_i32_1 = arith.constant 0 : i32
    return %c0_i32, %c0_i32_0 : i32, i32
  }
  func.func @transform_12(%arg0: i32) -> (i32, i32) {
    %c0_i32 = arith.constant 0 : i32
    %c0_i32_0 = arith.constant 0 : i32
    %c0_i32_1 = arith.constant 0 : i32
    return %c0_i32, %c0_i32_0 : i32, i32
  }
  func.func @transform_13(%arg0: i32) -> (i32, i32) {
    %c0_i32 = arith.constant 0 : i32
    %c0_i32_0 = arith.constant 0 : i32
    %c0_i32_1 = arith.constant 0 : i32
    return %c0_i32, %c0_i32_0 : i32, i32
  }
  func.func @transform_14(%arg0: i32) -> (i32, i32) {
    %c0_i32 = arith.constant 0 : i32
    %c0_i32_0 = arith.constant 0 : i32
    %c0_i32_1 = arith.constant 0 : i32
    return %c0_i32, %c0_i32_0 : i32, i32
  }
  func.func @transform_15(%arg0: i32) -> (i32, i32) {
    %c0_i32 = arith.constant 0 : i32
    %c0_i32_0 = arith.constant 0 : i32
    %c0_i32_1 = arith.constant 0 : i32
    return %c0_i32, %c0_i32_0 : i32, i32
  }
  func.func @transform_16(%arg0: i32) -> (i32, i32) {
    %c0_i32 = arith.constant 0 : i32
    %c0_i32_0 = arith.constant 0 : i32
    %c0_i32_1 = arith.constant 0 : i32
    return %c0_i32, %c0_i32_0 : i32, i32
  }
}

</mosaic_0001>

<sc_bundles>
// kernel: kernel.10.cloned.1.call-start
scs
__scs_entry_jumppad:
0x0: {  	(pc) =	sbr.rel $0x88, $3  }
0x1: {  	(tag) =	ssettag $0x0;
	lr =	simm.s32 $0x1  }
0x2: {  	[smem:$0x3F92] =	sst lr;
	_ =	strace $0xD0000000  }
0x3: {  	_ = 	snop  }
0x4: {  	_ = 	snop  }
0x5: {  	_ = 	snop  }
0x6: {  	_ = 	snop  }
0x7: {  	_ = 	snop  }
__scs_overlays_trampoline_lowered:
0x8: {  	[smem:$0x3FA1] =	sst s0  }
0x9: {  	[smem:$0x3FA2] =	sst s1  }
0xa: {  	[smem:$0x3FA3] =	sst s2  }
0xb: {  	[smem:$0x3FA4] =	sst s3  }
0xc: {  	[smem:$0x3FA5] =	sst s4  }
0xd: {  	[smem:$0x3FA6] =	sst s5  }
0xe: {  	[smem:$0x3FA7] =	sst s6  }
0xf: {  	[smem:$0x3FA8] =	sst s7  }
0x10: {  	[smem:$0x3FA9] =	sst s8  }
0x11: {  	[smem:$0x3FAA] =	sst s9;
	s0 =	simm.s32 @!p0 $0x0  }
0x12: {  	s1 =	sld [smem:$0x3F90];
	s0 =	simm.s32 @p0 $0x1  }
0x13: {  	[smem:$0x3FAB] =	sst s0;
	s0 =	simm.s32 @!p1 $0x0  }
0x14: {  	s2 =	sld [smem:$0x3F8F];
	s0 =	simm.s32 @p1 $0x1  }
0x15: {  	[smem:$0x3FAC] =	sst s0;
	s0 =	simm.s32 @!p2 $0x0  }
0x16: {  	s3 =	sld [smem:$0x3FDB];
	s0 =	simm.s32 @p2 $0x1  }
0x17: {  	s4 =	simm.s32 $0x1BF5;
	[smem:$0x3FAE] =	sst s0  }
0x18: {  	s0 =	sld [smem:$0x3F91];
	_ =	swait.ge [sflag:s4], $0x0  }
0x19: {  	s7 =	sld [smem:$0x3F92]  }
0x1a: {  	s8 =	sadd.s32 $0xFFFFE003, lr  }
0x1b: {  	s9 =	sadd.s32 $0xFFFFFEF7, lr;
	s5 =	simm.s32 $0xFFFFFFFF;
	p2 =	slt.u32 s8, $0xFFFFF086  }
0x1c: {  	p1 =	slt.u32 s9, $0xF7A;
	s5 =	simm.s32 @!p2 $0x0  }
0x1d: {  	s5 =	simm.s32 @p1 $0x1;
	p0 =	seq.s32 s7, s2  }
0x1e: {  	s7 =	smul.u32 @!p0 $0xF7A, s2;
	p2 =	seq.s32 @!p0 s5, $0x0  }
0x1f: {  	s9 =	smul.u32 $0xF7A, s1;
	s8 =	simm.s32 @!p0 $0x1BF5;
	p2 =	por !p2, p0  }
0x20: {  	[sflag:s8] =	ssyncset.s32 @!p0 $0xFFFFF086;
	s6 =	sadd.s32 @!p0 s3, s7;
	s7 =	simm.s32 @!p0 $0x108  }
0x21: {  	s3 =	sadd.s32 s3, s9;
	s6 =	sadd.s32 @!p0 $0x88, s6;
	s7 =	simm.s32 @p2 $0x1082  }
0x22: {  	[simem:s7], [sflag:s8] =	dma.local @!p0 [hbm:s6], $0xF7A  }
0x23: {  	s9 =	sor.u32 $0xD0000000, s2;
	s6 =	simm.s32 $0x108;
	_ =	swait.ge @!p0 [sflag:s8], $0x0  }
0x24: {  	s3 =	sadd.s32 $0x88, s3;
	s6 =	simm.s32 @!p1 $0x1082;
	[sflag:s4] =	ssyncset.s32 $0xFFFFF086  }
0x25: {  	[simem:s6], [sflag:s4] =	dma.local [hbm:s3], $0xF7A  }
0x26: {  	[smem:$0x3F92] =	sst s1;
	(tag) =	ssettag s2;
	_ =	strace s9  }
0x27: {  	s1 =	sld [smem:$0x3FA2]  }
0x28: {  	s2 =	sld [smem:$0x3FA3]  }
0x29: {  	s4 =	sld [smem:$0x3FA5]  }
0x2a: {  	p0 =	seq.s32 s5, $0x0;
	s5 =	sld [smem:$0x3FA6]  }
0x2b: {  	s6 =	sld [smem:$0x3FA7]  }
0x2c: {  	s7 =	sld [smem:$0x3FA8]  }
0x2d: {  	s3 =	simm.s32 $0x108;
	s8 =	sld [smem:$0x3FA9]  }
0x2e: {  	s3 =	simm.s32 @!p0 $0x1082;
	s9 =	sld [smem:$0x3FAA]  }
0x2f: {  	lr =	sadd.s32 s0, s3;
	s0 =	sld [smem:$0x3FA1]  }
0x30: {  	s3 =	sld [smem:$0x3FA4]  }
0x31: {  	[smem:$0x3FAD] =	sst s10  }
0x32: {  	s10 =	sld [smem:$0x3FAB];
	_ =	sdelay $0x3  }
0x33: {  	p0 =	seq.s32 s10, $0x1;
	s10 =	sld [smem:$0x3FAD];
	_ =	sdelay $0x3  }
0x34: {  	[smem:$0x3FAD] =	sst s10  }
0x35: {  	s10 =	sld [smem:$0x3FAC];
	_ =	sdelay $0x3  }
0x36: {  	p1 =	seq.s32 s10, $0x1;
	s10 =	sld [smem:$0x3FAD];
	_ =	sdelay $0x3  }
0x37: {  	[smem:$0x3FAD] =	sst s10  }
0x38: {  	s10 =	sld [smem:$0x3FAE]  }
0x39: {  	_ = 	snop;
	(pc) =	sbr.ind lr, $3  }
0x3a: {  	_ = 	snop  }
0x3b: {  	_ = 	snop  }
0x3c: {  	p2 =	seq.s32 s10, $0x1;
	s10 =	sld [smem:$0x3FAD]  }
0x3d: {  	_ =	shalt  }
0x3e: {  	_ =	shalt  }
0x3f: {  	_ =	shalt  }
0x40: {  	_ =	shalt  }
0x41: {  	_ =	shalt  }
0x42: {  	_ =	shalt  }
0x43: {  	_ =	shalt  }
0x44: {  	_ =	shalt  }
0x45: {  	_ =	shalt  }
0x46: {  	_ =	shalt  }
0x47: {  	_ =	shalt  }
0x48: {  	_ =	shalt  }
0x49: {  	_ =	shalt  }
0x4a: {  	_ =	shalt  }
0x4b: {  	_ =	shalt  }
0x4c: {  	_ =	shalt  }
0x4d: {  	_ =	shalt  }
0x4e: {  	_ =	shalt  }
0x4f: {  	_ =	shalt  }
0x50: {  	_ =	shalt  }
0x51: {  	_ =	shalt  }
0x52: {  	_ =	shalt  }
0x53: {  	_ =	shalt  }
0x54: {  	_ =	shalt  }
0x55: {  	_ =	shalt  }
0x56: {  	_ =	shalt  }
0x57: {  	_ =	shalt  }
0x58: {  	_ =	shalt  }
0x59: {  	_ =	shalt  }
0x5a: {  	_ =	shalt  }
0x5b: {  	_ =	shalt  }
0x5c: {  	_ =	shalt  }
0x5d: {  	_ =	shalt  }
0x5e: {  	_ =	shalt  }
0x5f: {  	_ =	shalt  }
0x60: {  	_ =	shalt  }
0x61: {  	_ =	shalt  }
0x62: {  	_ =	shalt  }
0x63: {  	_ =	shalt  }
0x64: {  	_ =	shalt  }
0x65: {  	_ =	shalt  }
0x66: {  	_ =	shalt  }
0x67: {  	_ =	shalt  }
0x68: {  	_ =	shalt  }
0x69: {  	_ =	shalt  }
0x6a: {  	_ =	shalt  }
0x6b: {  	_ =	shalt  }
0x6c: {  	_ =	shalt  }
0x6d: {  	_ =	shalt  }
0x6e: {  	_ =	shalt  }
0x6f: {  	_ =	shalt  }
0x70: {  	_ =	shalt  }
0x71: {  	_ =	shalt  }
0x72: {  	_ =	shalt  }
0x73: {  	_ =	shalt  }
0x74: {  	_ =	shalt  }
0x75: {  	_ =	shalt  }
0x76: {  	_ =	shalt  }
0x77: {  	_ =	shalt  }
0x78: {  	_ =	shalt  }
0x79: {  	_ =	shalt  }
0x7a: {  	_ =	shalt  }
0x7b: {  	_ =	shalt  }
0x7c: {  	_ =	shalt  }
0x7d: {  	_ =	shalt  }
0x7e: {  	_ =	shalt  }
0x7f: {  	_ =	shalt  }
0x80: {  	_ =	shalt  }
0x81: {  	_ =	shalt  }
0x82: {  	_ =	shalt  }
0x83: {  	_ =	shalt  }
0x84: {  	_ =	shalt  }
0x85: {  	_ =	shalt  }
0x86: {  	_ =	shalt  }
0x87: {  	_ =	shalt  }
.Lfunc_end0:
.L_simem_size_0:
called_computation.1_lowered:
.L_overlay_start_0:
0x88: {  	s2 =	sld [smem:$0x3FD9]  }
0x89: {  	s3 =	sld [smem:$0x3FFE];
	_ =	sdelay $0x1  }
0x8a: {  	s1 =	srdreg.scid  }
0x8b: {  	s0 =	sand.u32 $0x1, s1  }
0x8c: {  	s17 =	sshll.u32 s0, $0xA;
	s2 =	sadd.s32 s3, s2  }
0x8d: {  	s2 =	sadd.s32 s2, s17  }
0x8e: {  	[smem:$0x3FB9] =	sst s2  }
0x8f: {  	_ = 	snop  }
0x90: {  	s2 =	sld [smem:$0x3FC9];
	(tm) =	ssettm $0x1  }
0x91: {  	s18 =	sld [smem:$0x3FFB];
	_ =	sdelay $0x3  }
0x92: {  	_ =	strace s18  }
0x93: {  	s3 =	sld [smem:$0x3FFC];
	_ =	sdelay $0x3  }
0x94: {  	_ =	strace s3  }
0x95: {  	s3 =	sld [smem:$0x3FFD];
	_ =	sdelay $0x3  }
0x96: {  	_ =	strace s3  }
0x97: {  	_ =	strace $0x8FFFFFFF  }
0x98: {  	s19 =	sld [smem:$0x3FDB];
	_ =	sdelay $0x1  }
0x99: {  	s4 =	simm.s32 $_scs_section_size  }
0x9a: {  	s5 =	simm.s32 $_size__tile_overlayer_lowered;
	s6 =	simm.s32 $_tile_overlayer_lowered  }
0x9b: {  	s22 =	simm.s32 $0x1BFF;
	s21 =	sshll.u32 s6, $0x1;
	s3 =	sadd.s32 s4, s19  }
0x9c: {  	s7 =	simm.s32 $0x0;
	s20 =	sshll.u32 s5, $0x1;
	s5 =	sadd.s32 s21, s3  }
0x9d: {  	[timem:s7], [sflag:s22] =	dma.local [hbm:s5], s20  }
0x9e: {  	_ =	swait.ge [sflag:s22], s20  }
0x9f: {  	s4 =	ssub.s32 $0x0, s20;
	[sflag:s22] =	ssyncset.done $0x0  }
0xa0: {  	[sflag:s22] =	ssyncadd.s32 s4;
	_ =	sdelay $0x1  }
0xa1: {  	s23 =	simm.s32 $0x1B8B  }
0xa2: {  	_ =	swait.ge [sflag:s23], $0x1  }
0xa3: {  	[sflag:s23] =	ssyncset.done $0x0  }
0xa4: {  	s25 =	simm.s32 $0x1B8E;
	s24 =	sld [smem:$0x3FFE];
	[sflag:s23] =	ssyncadd.s32 $0xFFFFFFFF  }
0xa5: {  	s26 =	simm.s32 $execute0_lowered;
	[smem:$0x3FD2] =	sst s25  }
0xa6: {  	s5 =	sshll.u32 s26, $0x1;
	_ =	strace $0x80000046;
	[dreg:$0x1] =	wrdreg $0xFFFFFFFF  }
0xa7: {  	s28 =	simm.s32 $_size_execute0_lowered;
	s3 =	sadd.s32 s3, s5;
	[dreg:$0x0] =	wrdreg $0x0  }
0xa8: {  	s5 =	sshll.u32 s28, $0x1;
	[dreg:$0x2] =	wrdreg s3  }
0xa9: {  	[dreg:$0x3] =	wrdreg s5  }
0xaa: {  	[dreg:$0x4] =	wrdreg $0xC0  }
0xab: {  	_ =	task [dreg:s7], $0x5FFFF  }
0xac: {  	[dreg:$0x1] =	wrdreg $0xFFFFFFFF  }
0xad: {  	[dreg:$0x0] =	wrdreg $0x60  }
0xae: {  	[dreg:$0x2] =	wrdreg s2  }
0xaf: {  	[dreg:$0x3] =	wrdreg s24  }
0xb0: {  	[dreg:$0x4] =	wrdreg $0xA8000  }
0xb1: {  	[dreg:$0x5] =	wrdreg $0xA  }
0xb2: {  	_ =	task.clear_ibuf [dreg:s7], $0x6FFFF;
	_ =	strace $0x90000046  }
0xb3: {  	s29 =	simm.s32 $0xA;
	_ =	strace $0x80000048  }
0xb4: {  	_ =	swait.ge [sflag:s29], $0x1  }
0xb5: {  	[sflag:s29] =	ssyncadd.s32 $0xFFFFFFFF  }
0xb6: {  	_ =	strace $0x90000048  }
0xb7: {  	_ =	sfence  }
0xb8: {  	s30 =	sld [smem:$0x0];
	_ =	sdelay $0x2  }
0xb9: {  	s31 =	sshll.u32 s1, $0xD;
	s1 =	sshrl.u32 s1, $0x2  }
0xba: {  	s3 =	sand.u32 $0x4000, s31;
	s1 =	sadd.s32 s1, s30  }
0xbb: {  	s0 =	sor.u32 s3, s0;
	s1 =	sshll.u32 s1, $0x11  }
0xbc: {  	s0 =	sor.u32 s1, s0  }
0xbd: {  	s0 =	sadd.s32 $0x8F2B, s0  }
0xbe: {  	[sflag:s0] =	ssyncadd.remote.s32 $0x1  }
0xbf: {  	_ =	sfence.sel $0xFFFF  }
0xc0: {  	[dreg:$0x0] =	wrdreg $0xFFFFFFFF;
	(pc) =	sbr.abs _section_cstart, $3  }
0xc1: {  	[dreg:$0x1] =	wrdreg $0xFFFFFFFF  }
0xc2: {  	_ =	task.clear_ibuf [dreg:s7], $0x2FFFF;
	_ =	strace $0x9FFFFFFF  }
0xc3: {  	(tm) =	ssettm $0x7FFFFFFF  }
tec
execute0_lowered:
.L_overlay_start_1:
0x0: {  	(tag) =	ssettag $0x1  }
0x1: {  	s1 =	rddreg [dreg:$0x0]  }
0x2: {  	s6 =	rddreg [dreg:$0x1]  }
0x3: {  	s3 =	rddreg [dreg:$0x2];
	s5 =	srdreg.scid  }
0x4: {  	s0 =	stileid.u32;
	s4 =	simm.s32 $0x0;
	s20 =	simm.s32 $0x2800  }
0x5: {  	s21 =	simm.s32 $0x2;
	s22 =	simm.s32 $0x2780;
	s23 =	simm.s32 $0x6800  }
0x6: {  	s24 =	simm.s32 $0x0;
	s7 =	sand.u32 $0x1, s5;
	s8 =	smul.u32 $0x2800, s0  }
0x7: {  	[smem:$0x7FF] =	sst s4;
	s10 =	sadd.s32 $0xCE00, s6;
	s11 =	sadd.s32 $0x2E00, s6  }
0x8: {  	s5 =	sadd.s32 $0x16E00, s6;
	s25 =	smul.u32 $0x50000, s0;
	s29 =	sshll.u32 s0, $0x6  }
0x9: {  	s9 =	smul.u32 $0x28000, s7;
	s26 =	ssub.s32 $0x2, s7;
	s7 =	sshll.u32 s7, $0x4  }
0xa: {  	_ =	strace $0x80000047;
	s28 =	sshrl.u32 s26, $0x1;
	s7 =	sor.u32 s0, s7  }
0xb: {  	s8 =	sadd.s32 s8, s9;
	s9 =	sshrl.u32 s25, $0x2;
	s14 =	smul.u32 $0x2800, s7  }
0xc: {  	s15 =	ssub.s32 s26, s28;
	s30 =	smul.u32 $0x500, s7;
	s13 =	sadd.s32 s9, s3  }
0xd: {  	s12 =	sadd.s32 s8, s6;
	s6 =	sor.u32 $0x1C03, s29;
	s16 =	sadd.s32 $0x4000, s13  }
0xe: {  	s17 =	sadd.s32 $0x8000, s13;
	s31 =	sshrl.u32 s14, $0x3;
	s18 =	sadd.s32 $0xC000, s13  }
0xf: {  	s19 =	sadd.s32 $0x10000, s13;
	s7 =	sadd.s32 s10, s30;
	s14 =	sadd.s32 $0x280, s31  }
0x10: {  	s8 =	sadd.s32 s11, s30;
	s13 =	sshrl.u32 s13, $0x3;
	s9 =	sadd.s32 s10, s14  }
0x11: {  	s10 =	sadd.s32 s11, s14;
	s11 =	sadd.s32 $0x17600, s12;
	s12 =	smax.u32 s15, $0x1  }
0x12: {  	s14 =	simm.s32 $0x3;
	s15 =	sshrl.u32 s16, $0x3;
	s16 =	sshrl.u32 s17, $0x3  }
0x13: {  	s17 =	sshrl.u32 s18, $0x3;
	s18 =	sshrl.u32 s19, $0x3;
	s19 =	simm.s32 $0x7D  }
.LBB2_1:
0x14: {  	[spmem:s13], [sflag:s6] =	dma.local [hbm:s5], $0x800  }
0x15: {  	_ =	swait.ge [sflag:s14], $0x800  }
0x16: {  	[sflag:s14] =	ssyncset.done $0x0  }
0x17: {  	[sflag:s14] =	ssyncadd.s32 $0xFFFFF800  }
0x18: {  	[spmem:s15], [sflag:s6] =	dma.local [hbm:s5], $0x800  }
0x19: {  	_ =	swait.ge [sflag:s14], $0x800  }
0x1a: {  	[sflag:s14] =	ssyncset.done $0x0  }
0x1b: {  	[sflag:s14] =	ssyncadd.s32 $0xFFFFF800  }
0x1c: {  	[spmem:s16], [sflag:s6] =	dma.local [hbm:s5], $0x800  }
0x1d: {  	_ =	swait.ge [sflag:s14], $0x800  }
0x1e: {  	[sflag:s14] =	ssyncset.done $0x0  }
0x1f: {  	[sflag:s14] =	ssyncadd.s32 $0xFFFFF800  }
0x20: {  	[spmem:s17], [sflag:s6] =	dma.local [hbm:s5], $0x800  }
0x21: {  	_ =	swait.ge [sflag:s14], $0x800  }
0x22: {  	[sflag:s14] =	ssyncset.done $0x0  }
0x23: {  	[sflag:s14] =	ssyncadd.s32 $0xFFFFF800  }
0x24: {  	[spmem:s18], [sflag:s6] =	dma.local [hbm:s5], $0x800  }
0x25: {  	_ =	swait.ge [sflag:s14], $0x800  }
0x26: {  	[sflag:s14] =	ssyncset.done $0x0  }
0x27: {  	[sflag:s14] =	ssyncadd.s32 $0xFFFFF800  }
0x28: {  	[bflag:$0x0] =	sbarrier.arrive $0xFFFF  }
0x29: {  	[tilespmem:s4], [sflag:$0x3] =	stream.linear.gather [hbm4b:s7+s4], $0x1400, $0x38;
	[tilespmem:$0x1E800] =	vst v63  }
0x2a: {  	_ =	swait.ge [sflag:s14], $0x1400  }
0x2b: {  	[sflag:s14] =	ssyncset.done $0x0  }
0x2c: {  	s25 =	simm.s32 $0x1400;
	[sflag:s14] =	ssyncadd.s32 $0xFFFFEC00  }
0x2d: {  	[tilespmem:s25], [sflag:$0x3] =	stream.linear.gather [hbm4b:s8+s4], $0x1400, $0x38;
	[tilespmem:$0x1E800] =	vst v63  }
0x2e: {  	s26 =	sand.u32 $0x1, s4;
	_ =	swait.ge [sflag:s14], $0x1400  }
0x2f: {  	p0 =	seq.s32 s26, $0x1;
	[sflag:s14] =	ssyncset.done $0x0  }
0x30: {  	s26 =	simm.s32 @p0 $0x2;
	[sflag:s14] =	ssyncadd.s32 $0xFFFFEC00  }
0x31: {  	[tilespmem:s20], [sflag:$0x1] =	stream.indirect.gather [hbm4b:s1+s19], $0x80, s4, s19, $0xb8;
	[tilespmem:$0x1E800] =	vst v63  }
0x32: {  	_ =	swait.ge @p0 [sflag:s26], $0x3E80  }
0x33: {  	s29 =	simm.s32 $0x80;
	[sflag:s26] =	ssyncset.done @p0 $0x0  }
0x34: {  	s28 =	simm.s32 @p0 $0x2800;
	[sflag:s26] =	ssyncadd.s32 @p0 $0xFFFFC180;
	s26 =	simm.s32 @p0 $0x7D  }
0x35: {  	[tilespmem:s28], [sflag:$0x1] =	stream.indirect.gather @p0 [hbm4b:s1+s26], $0x80, s29, s26, $0xb8;
	[tilespmem:$0x1E800] =	vst v63  }
0x36: {  	s30 =	simm.s32 @!p0 $0x1;
	s28 =	simm.s32 @p0 $0x6800  }
0x37: {  	[spmem:s3] =	stream.indirect.scatter.add.f32 @p0 [tilespmem:s28], [sflag:$0x3], $0x80, s25, s26, $0xb8;
	[tilespmem:$0x1E800] =	vst v63  }
0x38: {  	_ =	swait.ge @!p0 [sflag:s30], $0x3E80  }
0x39: {  	s28 =	simm.s32 @!p0 $0x4;
	[sflag:s30] =	ssyncset.done @!p0 $0x0  }
0x3a: {  	s26 =	simm.s32 @!p0 $0x7D;
	[sflag:s30] =	ssyncadd.s32 @!p0 $0xFFFFC180;
	s30 =	simm.s32 @!p0 $0x6800  }
0x3b: {  	[tilespmem:s30], [sflag:$0x2] =	stream.indirect.gather @!p0 [hbm4b:s1+s26], $0x80, s29, s26, $0xb8;
	[tilespmem:$0x1E800] =	vst v63  }
0x3c: {  	s28 =	simm.s32 @p0 $0x3;
	s30 =	simm.s32 $0x1;
	s29 =	simm.s32 @!p0 $0x2800  }
0x3d: {  	[spmem:s3] =	stream.indirect.scatter.add.f32 @!p0 [tilespmem:s29], [sflag:$0x4], $0x80, s25, s26, $0xb8;
	[tilespmem:$0x1E800] =	vst v63  }
0x3e: {  	s30 =	sand.u32 $0x1, s30;
	s29 =	simm.s32 $0x2;
	_ =	swait.ge [sflag:s28], $0x3E80  }
0x3f: {  	s25 =	simm.s32 $0x100;
	s26 =	simm.s32 $0x1480;
	[sflag:s28] =	ssyncset.done $0x0  }
.LBB2_2:
0x40: {  	p1 =	seq.s32 s30, $0x1  }
0x41: {  	[sflag:s28] =	ssyncadd.s32 $0xFFFFC180;
	s30 =	smov.u32 s29;
	s29 =	sadd.s32 $0x1, s29  }
0x42: {  	p0 =	sne.s32 s29, $0x27;
	s31 =	simm.s32 @p1 $0x2;
	s28 =	simm.s32 @!p1 $0x4  }
0x43: {  	_ =	swait.ge @p1 [sflag:s31], $0x3E80  }
0x44: {  	[sflag:s31] =	ssyncset.done @p1 $0x0  }
0x45: {  	s0 =	simm.s32 @p1 $0x2800;
	[sflag:s31] =	ssyncadd.s32 @p1 $0xFFFFC180;
	s31 =	simm.s32 @p1 $0x7D  }
0x46: {  	[tilespmem:s0], [sflag:$0x1] =	stream.indirect.gather @p1 [hbm4b:s1+s31], $0x80, s25, s31, $0xb8;
	[tilespmem:$0x1E800] =	vst v63  }
0x47: {  	s2 =	simm.s32 @!p1 $0x1;
	s0 =	simm.s32 @p1 $0x6800  }
0x48: {  	[spmem:s3] =	stream.indirect.scatter.add.f32 @p1 [tilespmem:s0], [sflag:$0x3], $0x80, s26, s31, $0xb8;
	[tilespmem:$0x1E800] =	vst v63  }
0x49: {  	_ =	swait.ge @!p1 [sflag:s2], $0x3E80  }
0x4a: {  	[sflag:s2] =	ssyncset.done @!p1 $0x0  }
0x4b: {  	s0 =	simm.s32 @!p1 $0x7D;
	[sflag:s2] =	ssyncadd.s32 @!p1 $0xFFFFC180;
	s2 =	simm.s32 @!p1 $0x6800  }
0x4c: {  	[tilespmem:s2], [sflag:$0x2] =	stream.indirect.gather @!p1 [hbm4b:s1+s0], $0x80, s25, s0, $0xb8;
	[tilespmem:$0x1E800] =	vst v63  }
.Ltmp0:
0x4d: {  	_ = 	snop;
	(pc) =	sbr.rel @p0 .LBB2_2-.Ltmp0, $4  }
0x4e: {  	s28 =	simm.s32 @p1 $0x3;
	s2 =	simm.s32 @!p1 $0x2800  }
0x4f: {  	[spmem:s3] =	stream.indirect.scatter.add.f32 @!p1 [tilespmem:s2], [sflag:$0x4], $0x80, s26, s0, $0xb8;
	[tilespmem:$0x1E800] =	vst v63  }
0x50: {  	s25 =	sadd.s32 $0x80, s25;
	_ =	swait.ge [sflag:s28], $0x3E80  }
0x51: {  	s30 =	sand.u32 $0x1, s30;
	s26 =	sadd.s32 $0x80, s26;
	[sflag:s28] =	ssyncset.done $0x0  }
0x52: {  	p0 =	seq.s32 s30, $0x1  }
0x53: {  	[sflag:s28] =	ssyncadd.s32 $0xFFFFC180;
	s0 =	simm.s32 @p0 $0x2  }
0x54: {  	_ =	swait.ge @p0 [sflag:s0], $0x3E80  }
0x55: {  	[sflag:s0] =	ssyncset.done @p0 $0x0  }
0x56: {  	s2 =	simm.s32 @p0 $0x2800;
	[sflag:s0] =	ssyncadd.s32 @p0 $0xFFFFC180;
	s0 =	simm.s32 @p0 $0x7D  }
0x57: {  	[tilespmem:s2], [sflag:$0x1] =	stream.indirect.gather @p0 [hbm4b:s1+s0], $0x80, s25, s0, $0xb8;
	[tilespmem:$0x1E800] =	vst v63  }
0x58: {  	s28 =	simm.s32 @!p0 $0x1;
	s2 =	simm.s32 @p0 $0x6800  }
0x59: {  	[spmem:s3] =	stream.indirect.scatter.add.f32 @p0 [tilespmem:s2], [sflag:$0x3], $0x80, s26, s0, $0xb8;
	[tilespmem:$0x1E800] =	vst v63  }
0x5a: {  	_ =	swait.ge @!p0 [sflag:s28], $0x3E80  }
0x5b: {  	s0 =	simm.s32 @!p0 $0x4;
	[sflag:s28] =	ssyncset.done @!p0 $0x0  }
0x5c: {  	s2 =	simm.s32 @!p0 $0x7D;
	[sflag:s28] =	ssyncadd.s32 @!p0 $0xFFFFC180;
	s28 =	simm.s32 @!p0 $0x6800  }
0x5d: {  	[tilespmem:s28], [sflag:$0x2] =	stream.indirect.gather @!p0 [hbm4b:s1+s2], $0x80, s25, s2, $0xb8;
	[tilespmem:$0x1E800] =	vst v63  }
0x5e: {  	s0 =	simm.s32 @p0 $0x3;
	s25 =	simm.s32 @!p0 $0x2800  }
0x5f: {  	[spmem:s3] =	stream.indirect.scatter.add.f32 @!p0 [tilespmem:s25], [sflag:$0x4], $0x80, s26, s2, $0xb8;
	[tilespmem:$0x1E800] =	vst v63  }
0x60: {  	_ =	swait.ge [sflag:s0], $0x3E80  }
0x61: {  	[sflag:s0] =	ssyncset.done $0x0  }
0x62: {  	[sflag:s0] =	ssyncadd.s32 $0xFFFFC180  }
0x63: {  	_ =	swait.ge [sflag:s21], $0x3E80  }
0x64: {  	[sflag:s21] =	ssyncset.done $0x0  }
0x65: {  	[sflag:s21] =	ssyncadd.s32 $0xFFFFC180  }
0x66: {  	[spmem:s3] =	stream.indirect.scatter.add.f32 [tilespmem:s23], [sflag:$0x3], $0x80, s22, s19, $0xb8;
	[tilespmem:$0x1E800] =	vst v63  }
0x67: {  	_ =	swait.ge [sflag:s14], $0x3E80  }
0x68: {  	[sflag:s14] =	ssyncset.done $0x0  }
0x69: {  	s26 =	simm.s32 $0x0;
	[sflag:s14] =	ssyncadd.s32 $0xFFFFC180  }
0x6a: {  	[tilespmem:s26], [sflag:$0x3] =	stream.linear.gather [hbm4b:s9+s26], $0x1400, $0x38;
	[tilespmem:$0x1E800] =	vst v63  }
0x6b: {  	_ =	swait.ge [sflag:s14], $0x1400  }
0x6c: {  	[sflag:s14] =	ssyncset.done $0x0  }
0x6d: {  	s2 =	simm.s32 $0x1400;
	[sflag:s14] =	ssyncadd.s32 $0xFFFFEC00  }
0x6e: {  	[tilespmem:s2], [sflag:$0x3] =	stream.linear.gather [hbm4b:s10+s26], $0x1400, $0x38;
	[tilespmem:$0x1E800] =	vst v63  }
0x6f: {  	s0 =	sand.u32 $0x1, s26;
	_ =	swait.ge [sflag:s14], $0x1400  }
0x70: {  	p0 =	seq.s32 s0, $0x1;
	[sflag:s14] =	ssyncset.done $0x0  }
0x71: {  	s0 =	simm.s32 @p0 $0x2;
	[sflag:s14] =	ssyncadd.s32 $0xFFFFEC00  }
0x72: {  	[tilespmem:s20], [sflag:$0x1] =	stream.indirect.gather [hbm4b:s1+s19], $0x80, s26, s19, $0xb8;
	[tilespmem:$0x1E800] =	vst v63  }
0x73: {  	_ =	swait.ge @p0 [sflag:s0], $0x3E80  }
0x74: {  	s25 =	simm.s32 $0x80;
	[sflag:s0] =	ssyncset.done @p0 $0x0  }
0x75: {  	s26 =	simm.s32 @p0 $0x2800;
	[sflag:s0] =	ssyncadd.s32 @p0 $0xFFFFC180;
	s0 =	simm.s32 @p0 $0x7D  }
0x76: {  	[tilespmem:s26], [sflag:$0x1] =	stream.indirect.gather @p0 [hbm4b:s1+s0], $0x80, s25, s0, $0xb8;
	[tilespmem:$0x1E800] =	vst v63  }
0x77: {  	s29 =	simm.s32 @!p0 $0x1;
	s26 =	simm.s32 @p0 $0x6800  }
0x78: {  	[spmem:s3] =	stream.indirect.scatter.add.f32 @p0 [tilespmem:s26], [sflag:$0x3], $0x80, s2, s0, $0xb8;
	[tilespmem:$0x1E800] =	vst v63  }
0x79: {  	_ =	swait.ge @!p0 [sflag:s29], $0x3E80  }
0x7a: {  	s28 =	simm.s32 @!p0 $0x4;
	[sflag:s29] =	ssyncset.done @!p0 $0x0  }
0x7b: {  	s0 =	simm.s32 @!p0 $0x7D;
	s26 =	simm.s32 @!p0 $0x6800;
	[sflag:s29] =	ssyncadd.s32 @!p0 $0xFFFFC180  }
0x7c: {  	[tilespmem:s26], [sflag:$0x2] =	stream.indirect.gather @!p0 [hbm4b:s1+s0], $0x80, s25, s0, $0xb8;
	[tilespmem:$0x1E800] =	vst v63  }
0x7d: {  	s31 =	simm.s32 $0x1;
	s28 =	simm.s32 @p0 $0x3;
	s25 =	simm.s32 @!p0 $0x2800  }
0x7e: {  	[spmem:s3] =	stream.indirect.scatter.add.f32 @!p0 [tilespmem:s25], [sflag:$0x4], $0x80, s2, s0, $0xb8;
	[tilespmem:$0x1E800] =	vst v63  }
0x7f: {  	s30 =	sand.u32 $0x1, s31;
	s29 =	simm.s32 $0x2;
	_ =	swait.ge [sflag:s28], $0x3E80  }
0x80: {  	s26 =	simm.s32 $0x1480;
	s25 =	simm.s32 $0x100;
	[sflag:s28] =	ssyncset.done $0x0  }
.LBB2_4:
0x81: {  	p1 =	seq.s32 s30, $0x1  }
0x82: {  	[sflag:s28] =	ssyncadd.s32 $0xFFFFC180;
	s0 =	smov.u32 s29;
	s29 =	sadd.s32 $0x1, s29  }
0x83: {  	p0 =	sne.s32 s29, $0x27;
	s2 =	simm.s32 @p1 $0x2;
	s28 =	simm.s32 @!p1 $0x4  }
0x84: {  	_ =	swait.ge @p1 [sflag:s2], $0x3E80  }
0x85: {  	[sflag:s2] =	ssyncset.done @p1 $0x0  }
0x86: {  	s30 =	simm.s32 @p1 $0x2800;
	[sflag:s2] =	ssyncadd.s32 @p1 $0xFFFFC180;
	s2 =	simm.s32 @p1 $0x7D  }
0x87: {  	[tilespmem:s30], [sflag:$0x1] =	stream.indirect.gather @p1 [hbm4b:s1+s2], $0x80, s25, s2, $0xb8;
	[tilespmem:$0x1E800] =	vst v63  }
0x88: {  	s31 =	simm.s32 @!p1 $0x1;
	s30 =	simm.s32 @p1 $0x6800  }
0x89: {  	[spmem:s3] =	stream.indirect.scatter.add.f32 @p1 [tilespmem:s30], [sflag:$0x3], $0x80, s26, s2, $0xb8;
	[tilespmem:$0x1E800] =	vst v63  }
0x8a: {  	_ =	swait.ge @!p1 [sflag:s31], $0x3E80  }
0x8b: {  	[sflag:s31] =	ssyncset.done @!p1 $0x0  }
0x8c: {  	s2 =	simm.s32 @!p1 $0x7D;
	s30 =	simm.s32 @!p1 $0x6800;
	[sflag:s31] =	ssyncadd.s32 @!p1 $0xFFFFC180  }
0x8d: {  	[tilespmem:s30], [sflag:$0x2] =	stream.indirect.gather @!p1 [hbm4b:s1+s2], $0x80, s25, s2, $0xb8;
	[tilespmem:$0x1E800] =	vst v63  }
.Ltmp1:
0x8e: {  	_ = 	snop;
	(pc) =	sbr.rel @p0 .LBB2_4-.Ltmp1, $4  }
0x8f: {  	s28 =	simm.s32 @p1 $0x3;
	s30 =	simm.s32 @!p1 $0x2800  }
0x90: {  	[spmem:s3] =	stream.indirect.scatter.add.f32 @!p1 [tilespmem:s30], [sflag:$0x4], $0x80, s26, s2, $0xb8;
	[tilespmem:$0x1E800] =	vst v63  }
0x91: {  	s25 =	sadd.s32 $0x80, s25;
	_ =	swait.ge [sflag:s28], $0x3E80  }
0x92: {  	s30 =	sand.u32 $0x1, s0;
	s26 =	sadd.s32 $0x80, s26;
	[sflag:s28] =	ssyncset.done $0x0  }
0x93: {  	p0 =	seq.s32 s30, $0x1  }
0x94: {  	[sflag:s28] =	ssyncadd.s32 $0xFFFFC180;
	s0 =	simm.s32 @p0 $0x2  }
0x95: {  	_ =	swait.ge @p0 [sflag:s0], $0x3E80  }
0x96: {  	[sflag:s0] =	ssyncset.done @p0 $0x0  }
0x97: {  	s2 =	simm.s32 @p0 $0x2800;
	[sflag:s0] =	ssyncadd.s32 @p0 $0xFFFFC180;
	s0 =	simm.s32 @p0 $0x7D  }
0x98: {  	[tilespmem:s2], [sflag:$0x1] =	stream.indirect.gather @p0 [hbm4b:s1+s0], $0x80, s25, s0, $0xb8;
	[tilespmem:$0x1E800] =	vst v63  }
0x99: {  	s28 =	simm.s32 @!p0 $0x1;
	s2 =	simm.s32 @p0 $0x6800  }
0x9a: {  	[spmem:s3] =	stream.indirect.scatter.add.f32 @p0 [tilespmem:s2], [sflag:$0x3], $0x80, s26, s0, $0xb8;
	[tilespmem:$0x1E800] =	vst v63  }
0x9b: {  	_ =	swait.ge @!p0 [sflag:s28], $0x3E80  }
0x9c: {  	s0 =	simm.s32 @!p0 $0x4;
	[sflag:s28] =	ssyncset.done @!p0 $0x0  }
0x9d: {  	s2 =	simm.s32 @!p0 $0x7D;
	[sflag:s28] =	ssyncadd.s32 @!p0 $0xFFFFC180;
	s28 =	simm.s32 @!p0 $0x6800  }
0x9e: {  	[tilespmem:s28], [sflag:$0x2] =	stream.indirect.gather @!p0 [hbm4b:s1+s2], $0x80, s25, s2, $0xb8;
	[tilespmem:$0x1E800] =	vst v63  }
0x9f: {  	s0 =	simm.s32 @p0 $0x3;
	s25 =	simm.s32 @!p0 $0x2800  }
0xa0: {  	[spmem:s3] =	stream.indirect.scatter.add.f32 @!p0 [tilespmem:s25], [sflag:$0x4], $0x80, s26, s2, $0xb8;
	[tilespmem:$0x1E800] =	vst v63  }
0xa1: {  	_ =	swait.ge [sflag:s0], $0x3E80  }
0xa2: {  	[sflag:s0] =	ssyncset.done $0x0  }
0xa3: {  	[sflag:s0] =	ssyncadd.s32 $0xFFFFC180  }
0xa4: {  	_ =	swait.ge [sflag:s21], $0x3E80  }
0xa5: {  	[sflag:s21] =	ssyncset.done $0x0  }
0xa6: {  	[sflag:s21] =	ssyncadd.s32 $0xFFFFC180  }
0xa7: {  	[spmem:s3] =	stream.indirect.scatter.add.f32 [tilespmem:s23], [sflag:$0x3], $0x80, s22, s19, $0xb8;
	[tilespmem:$0x1E800] =	vst v63  }
0xa8: {  	_ =	swait.ge [sflag:s14], $0x3E80  }
0xa9: {  	s24 =	sadd.s32 $0x1, s24;
	[sflag:s14] =	ssyncset.done $0x0  }
0xaa: {  	p0 =	sne.s32 s24, s12;
	[sflag:s14] =	ssyncadd.s32 $0xFFFFC180  }
.Ltmp2:
0xab: {  	[bflag:$0x0] =	sbarrier.arrive $0xFFFF;
	(pc) =	sbr.rel @p0 .LBB2_1-.Ltmp2, $4  }
0xac: {  	[hbm:s11], [sflag:s6] =	dma.local [spmem:s13], $0x2800  }
0xad: {  	_ =	swait.ge [sflag:s14], $0x2800  }
0xae: {  	[sflag:s14] =	ssyncset.done $0x0  }
0xaf: {  	[sflag:s14] =	ssyncadd.s32 $0xFFFFD800  }
0xb0: {  	_ =	sfence.sel $0x180000  }
0xb1: {  	[bflag:$0x0] =	sbarrier.arrive $0xFFFF  }
0xb2: {  	_ =	strace $0x90000047  }
0xb3: {  	s0 =	stileid.u32;
	[bflag:$0x2] =	sbarrier.arrive $0xFFFF  }
0xb4: {  	p0 =	sne.s32 s0, $0x0;
	s0 =	rddreg [dreg:$0x3]  }
0xb5: {  	s0 =	sadd.s32 @!p0 $0x100000, s0  }
0xb6: {  	[sflag:s0] =	ssyncadd.tile.s32 @!p0 $0x1;
	_ =	shalt  }
.Lfunc_end2:
_tile_overlayer_lowered:
.L_overlay_start_2:
0xb7: {  	(tag) =	ssettag $0x2  }
0xb8: {  	s0 =	rddreg [dreg:$0x0];
	s2 =	stileid.u32  }
0xb9: {  	s1 =	rddreg [dreg:$0x1];
	p0 =	sne.s32 s2, $0x0  }
0xba: {  	s3 =	rddreg [dreg:$0x2];
	[bflag:$0x3] =	sbarrier.arrive $0xFFFF;
	s2 =	simm.s32 @!p0 $0x1C03  }
0xbb: {  	[timem:s3], [sflag:s2] =	dma.local @!p0 [hbm:s0], s1  }
0xbc: {  	s0 =	simm.s32 @!p0 $0x3  }
0xbd: {  	_ =	swait.ge @!p0 [sflag:s0], s1  }
0xbe: {  	s1 =	ssub.s32 @!p0 $0x0, s1;
	[sflag:s0] =	ssyncset.done @!p0 $0x0  }
0xbf: {  	[sflag:s0] =	ssyncadd.s32 @!p0 s1  }
0xc0: {  	[bflag:$0x3] =	sbarrier.arrive $0xFFFF  }
0xc1: {  	_ =	shalt  }

// kernel: kernel.13.cloned.1.call-start
scs
__scs_entry_jumppad:
0x0: {  	(pc) =	sbr.rel $0x88, $3  }
0x1: {  	(tag) =	ssettag $0x0;
	lr =	simm.s32 $0x1  }
0x2: {  	[smem:$0x3F92] =	sst lr;
	_ =	strace $0xD0000000  }
0x3: {  	_ = 	snop  }
0x4: {  	_ = 	snop  }
0x5: {  	_ = 	snop  }
0x6: {  	_ = 	snop  }
0x7: {  	_ = 	snop  }
__scs_overlays_trampoline_lowered:
0x8: {  	[smem:$0x3FA1] =	sst s0  }
0x9: {  	[smem:$0x3FA2] =	sst s1  }
0xa: {  	[smem:$0x3FA3] =	sst s2  }
0xb: {  	[smem:$0x3FA4] =	sst s3  }
0xc: {  	[smem:$0x3FA5] =	sst s4  }
0xd: {  	[smem:$0x3FA6] =	sst s5  }
0xe: {  	[smem:$0x3FA7] =	sst s6  }
0xf: {  	[smem:$0x3FA8] =	sst s7  }
0x10: {  	[smem:$0x3FA9] =	sst s8  }
0x11: {  	[smem:$0x3FAA] =	sst s9;
	s0 =	simm.s32 @!p0 $0x0  }
0x12: {  	s1 =	sld [smem:$0x3F90];
	s0 =	simm.s32 @p0 $0x1  }
0x13: {  	[smem:$0x3FAB] =	sst s0;
	s0 =	simm.s32 @!p1 $0x0  }
0x14: {  	s2 =	sld [smem:$0x3F8F];
	s0 =	simm.s32 @p1 $0x1  }
0x15: {  	[smem:$0x3FAC] =	sst s0;
	s0 =	simm.s32 @!p2 $0x0  }
0x16: {  	s3 =	sld [smem:$0x3FDB];
	s0 =	simm.s32 @p2 $0x1  }
0x17: {  	s4 =	simm.s32 $0x1BF5;
	[smem:$0x3FAE] =	sst s0  }
0x18: {  	s0 =	sld [smem:$0x3F91];
	_ =	swait.ge [sflag:s4], $0x0  }
0x19: {  	s7 =	sld [smem:$0x3F92]  }
0x1a: {  	s8 =	sadd.s32 $0xFFFFE003, lr  }
0x1b: {  	s9 =	sadd.s32 $0xFFFFFEF7, lr;
	s5 =	simm.s32 $0xFFFFFFFF;
	p2 =	slt.u32 s8, $0xFFFFF086  }
0x1c: {  	p1 =	slt.u32 s9, $0xF7A;
	s5 =	simm.s32 @!p2 $0x0  }
0x1d: {  	s5 =	simm.s32 @p1 $0x1;
	p0 =	seq.s32 s7, s2  }
0x1e: {  	s7 =	smul.u32 @!p0 $0xF7A, s2;
	p2 =	seq.s32 @!p0 s5, $0x0  }
0x1f: {  	s9 =	smul.u32 $0xF7A, s1;
	s8 =	simm.s32 @!p0 $0x1BF5;
	p2 =	por !p2, p0  }
0x20: {  	[sflag:s8] =	ssyncset.s32 @!p0 $0xFFFFF086;
	s6 =	sadd.s32 @!p0 s3, s7;
	s7 =	simm.s32 @!p0 $0x108  }
0x21: {  	s3 =	sadd.s32 s3, s9;
	s6 =	sadd.s32 @!p0 $0x88, s6;
	s7 =	simm.s32 @p2 $0x1082  }
0x22: {  	[simem:s7], [sflag:s8] =	dma.local @!p0 [hbm:s6], $0xF7A  }
0x23: {  	s9 =	sor.u32 $0xD0000000, s2;
	s6 =	simm.s32 $0x108;
	_ =	swait.ge @!p0 [sflag:s8], $0x0  }
0x24: {  	s3 =	sadd.s32 $0x88, s3;
	s6 =	simm.s32 @!p1 $0x1082;
	[sflag:s4] =	ssyncset.s32 $0xFFFFF086  }
0x25: {  	[simem:s6], [sflag:s4] =	dma.local [hbm:s3], $0xF7A  }
0x26: {  	[smem:$0x3F92] =	sst s1;
	(tag) =	ssettag s2;
	_ =	strace s9  }
0x27: {  	s1 =	sld [smem:$0x3FA2]  }
0x28: {  	s2 =	sld [smem:$0x3FA3]  }
0x29: {  	s4 =	sld [smem:$0x3FA5]  }
0x2a: {  	p0 =	seq.s32 s5, $0x0;
	s5 =	sld [smem:$0x3FA6]  }
0x2b: {  	s6 =	sld [smem:$0x3FA7]  }
0x2c: {  	s7 =	sld [smem:$0x3FA8]  }
0x2d: {  	s3 =	simm.s32 $0x108;
	s8 =	sld [smem:$0x3FA9]  }
0x2e: {  	s3 =	simm.s32 @!p0 $0x1082;
	s9 =	sld [smem:$0x3FAA]  }
0x2f: {  	lr =	sadd.s32 s0, s3;
	s0 =	sld [smem:$0x3FA1]  }
0x30: {  	s3 =	sld [smem:$0x3FA4]  }
0x31: {  	[smem:$0x3FAD] =	sst s10  }
0x32: {  	s10 =	sld [smem:$0x3FAB];
	_ =	sdelay $0x3  }
0x33: {  	p0 =	seq.s32 s10, $0x1;
	s10 =	sld [smem:$0x3FAD];
	_ =	sdelay $0x3  }
0x34: {  	[smem:$0x3FAD] =	sst s10  }
0x35: {  	s10 =	sld [smem:$0x3FAC];
	_ =	sdelay $0x3  }
0x36: {  	p1 =	seq.s32 s10, $0x1;
	s10 =	sld [smem:$0x3FAD];
	_ =	sdelay $0x3  }
0x37: {  	[smem:$0x3FAD] =	sst s10  }
0x38: {  	s10 =	sld [smem:$0x3FAE]  }
0x39: {  	_ = 	snop;
	(pc) =	sbr.ind lr, $3  }
0x3a: {  	_ = 	snop  }
0x3b: {  	_ = 	snop  }
0x3c: {  	p2 =	seq.s32 s10, $0x1;
	s10 =	sld [smem:$0x3FAD]  }
0x3d: {  	_ =	shalt  }
0x3e: {  	_ =	shalt  }
0x3f: {  	_ =	shalt  }
0x40: {  	_ =	shalt  }
0x41: {  	_ =	shalt  }
0x42: {  	_ =	shalt  }
0x43: {  	_ =	shalt  }
0x44: {  	_ =	shalt  }
0x45: {  	_ =	shalt  }
0x46: {  	_ =	shalt  }
0x47: {  	_ =	shalt  }
0x48: {  	_ =	shalt  }
0x49: {  	_ =	shalt  }
0x4a: {  	_ =	shalt  }
0x4b: {  	_ =	shalt  }
0x4c: {  	_ =	shalt  }
0x4d: {  	_ =	shalt  }
0x4e: {  	_ =	shalt  }
0x4f: {  	_ =	shalt  }
0x50: {  	_ =	shalt  }
0x51: {  	_ =	shalt  }
0x52: {  	_ =	shalt  }
0x53: {  	_ =	shalt  }
0x54: {  	_ =	shalt  }
0x55: {  	_ =	shalt  }
0x56: {  	_ =	shalt  }
0x57: {  	_ =	shalt  }
0x58: {  	_ =	shalt  }
0x59: {  	_ =	shalt  }
0x5a: {  	_ =	shalt  }
0x5b: {  	_ =	shalt  }
0x5c: {  	_ =	shalt  }
0x5d: {  	_ =	shalt  }
0x5e: {  	_ =	shalt  }
0x5f: {  	_ =	shalt  }
0x60: {  	_ =	shalt  }
0x61: {  	_ =	shalt  }
0x62: {  	_ =	shalt  }
0x63: {  	_ =	shalt  }
0x64: {  	_ =	shalt  }
0x65: {  	_ =	shalt  }
0x66: {  	_ =	shalt  }
0x67: {  	_ =	shalt  }
0x68: {  	_ =	shalt  }
0x69: {  	_ =	shalt  }
0x6a: {  	_ =	shalt  }
0x6b: {  	_ =	shalt  }
0x6c: {  	_ =	shalt  }
0x6d: {  	_ =	shalt  }
0x6e: {  	_ =	shalt  }
0x6f: {  	_ =	shalt  }
0x70: {  	_ =	shalt  }
0x71: {  	_ =	shalt  }
0x72: {  	_ =	shalt  }
0x73: {  	_ =	shalt  }
0x74: {  	_ =	shalt  }
0x75: {  	_ =	shalt  }
0x76: {  	_ =	shalt  }
0x77: {  	_ =	shalt  }
0x78: {  	_ =	shalt  }
0x79: {  	_ =	shalt  }
0x7a: {  	_ =	shalt  }
0x7b: {  	_ =	shalt  }
0x7c: {  	_ =	shalt  }
0x7d: {  	_ =	shalt  }
0x7e: {  	_ =	shalt  }
0x7f: {  	_ =	shalt  }
0x80: {  	_ =	shalt  }
0x81: {  	_ =	shalt  }
0x82: {  	_ =	shalt  }
0x83: {  	_ =	shalt  }
0x84: {  	_ =	shalt  }
0x85: {  	_ =	shalt  }
0x86: {  	_ =	shalt  }
0x87: {  	_ =	shalt  }
.Lfunc_end0:
.L_simem_size_0:
called_computation.2_lowered:
.L_overlay_start_0:
0x88: {  	s2 =	sld [smem:$0x3FD9]  }
0x89: {  	s3 =	sld [smem:$0x3FFE];
	_ =	sdelay $0x1  }
0x8a: {  	s1 =	srdreg.scid  }
0x8b: {  	s0 =	sand.u32 $0x1, s1  }
0x8c: {  	s16 =	sshll.u32 s0, $0xA;
	s2 =	sadd.s32 s3, s2  }
0x8d: {  	s2 =	sadd.s32 s2, s16  }
0x8e: {  	[smem:$0x3FB9] =	sst s2  }
0x8f: {  	_ = 	snop  }
0x90: {  	(tm) =	ssettm $0x1  }
0x91: {  	s17 =	sld [smem:$0x3FFB];
	_ =	sdelay $0x3  }
0x92: {  	_ =	strace s17  }
0x93: {  	s2 =	sld [smem:$0x3FFC];
	_ =	sdelay $0x3  }
0x94: {  	_ =	strace s2  }
0x95: {  	s2 =	sld [smem:$0x3FFD];
	_ =	sdelay $0x3  }
0x96: {  	_ =	strace s2  }
0x97: {  	_ =	strace $0x8FFFFFFF  }
0x98: {  	s18 =	sld [smem:$0x3FDB];
	_ =	sdelay $0x1  }
0x99: {  	s19 =	simm.s32 $_scs_section_size  }
0x9a: {  	s4 =	simm.s32 $_size__tile_overlayer_lowered;
	s5 =	simm.s32 $_tile_overlayer_lowered  }
0x9b: {  	s22 =	simm.s32 $0x1BFF;
	s21 =	sshll.u32 s5, $0x1;
	s2 =	sadd.s32 s19, s18  }
0x9c: {  	s6 =	simm.s32 $0x0;
	s20 =	sshll.u32 s4, $0x1;
	s4 =	sadd.s32 s21, s2  }
0x9d: {  	[timem:s6], [sflag:s22] =	dma.local [hbm:s4], s20  }
0x9e: {  	_ =	swait.ge [sflag:s22], s20  }
0x9f: {  	s3 =	ssub.s32 $0x0, s20;
	[sflag:s22] =	ssyncset.done $0x0  }
0xa0: {  	[sflag:s22] =	ssyncadd.s32 s3;
	_ =	sdelay $0x1  }
0xa1: {  	s23 =	simm.s32 $0x1B8B  }
0xa2: {  	_ =	swait.ge [sflag:s23], $0x1  }
0xa3: {  	[sflag:s23] =	ssyncset.done $0x0  }
0xa4: {  	s25 =	simm.s32 $0x1B8E;
	s24 =	sld [smem:$0x3FFE];
	[sflag:s23] =	ssyncadd.s32 $0xFFFFFFFF  }
0xa5: {  	s26 =	simm.s32 $execute0_lowered;
	[smem:$0x3FD2] =	sst s25  }
0xa6: {  	s4 =	sshll.u32 s26, $0x1;
	_ =	strace $0x8000004C;
	[dreg:$0x1] =	wrdreg $0xFFFFFFFF  }
0xa7: {  	s28 =	simm.s32 $_size_execute0_lowered;
	s2 =	sadd.s32 s2, s4;
	[dreg:$0x0] =	wrdreg $0x0  }
0xa8: {  	s4 =	sshll.u32 s28, $0x1;
	[dreg:$0x2] =	wrdreg s2  }
0xa9: {  	[dreg:$0x3] =	wrdreg s4  }
0xaa: {  	[dreg:$0x4] =	wrdreg $0xC0  }
0xab: {  	_ =	task [dreg:s6], $0x5FFFF  }
0xac: {  	[dreg:$0x1] =	wrdreg $0xFFFFFFFF  }
0xad: {  	[dreg:$0x0] =	wrdreg $0x60  }
0xae: {  	[dreg:$0x2] =	wrdreg s24  }
0xaf: {  	[dreg:$0x3] =	wrdreg $0xA8000  }
0xb0: {  	[dreg:$0x4] =	wrdreg $0x9  }
0xb1: {  	_ =	task.clear_ibuf [dreg:s6], $0x5FFFF;
	_ =	strace $0x9000004C  }
0xb2: {  	s29 =	simm.s32 $0x9;
	_ =	strace $0x8000004E  }
0xb3: {  	_ =	swait.ge [sflag:s29], $0x1  }
0xb4: {  	[sflag:s29] =	ssyncadd.s32 $0xFFFFFFFF  }
0xb5: {  	_ =	strace $0x9000004E  }
0xb6: {  	_ =	sfence  }
0xb7: {  	s30 =	sld [smem:$0x0];
	_ =	sdelay $0x2  }
0xb8: {  	s31 =	sshll.u32 s1, $0xD;
	s1 =	sshrl.u32 s1, $0x2  }
0xb9: {  	s3 =	sand.u32 $0x4000, s31;
	s1 =	sadd.s32 s1, s30  }
0xba: {  	s0 =	sor.u32 s3, s0;
	s1 =	sshll.u32 s1, $0x11  }
0xbb: {  	s0 =	sor.u32 s1, s0  }
0xbc: {  	s0 =	sadd.s32 $0x8F2B, s0  }
0xbd: {  	[sflag:s0] =	ssyncadd.remote.s32 $0x1  }
0xbe: {  	_ =	sfence.sel $0xFFFF  }
0xbf: {  	[dreg:$0x0] =	wrdreg $0xFFFFFFFF;
	(pc) =	sbr.abs _section_cstart, $3  }
0xc0: {  	[dreg:$0x1] =	wrdreg $0xFFFFFFFF  }
0xc1: {  	_ =	task.clear_ibuf [dreg:s6], $0x2FFFF;
	_ =	strace $0x9FFFFFFF  }
0xc2: {  	(tm) =	ssettm $0x7FFFFFFF  }
0xc3: {  	_ =	shalt  }
tec
execute0_lowered:
.L_overlay_start_1:
0x0: {  	(tag) =	ssettag $0x1  }
0x1: {  	s6 =	rddreg [dreg:$0x0]  }
0x2: {  	s2 =	rddreg [dreg:$0x1];
	s3 =	simm.s32 $0x0;
	s4 =	srdreg.scid  }
0x3: {  	s0 =	stileid.u32;
	s20 =	simm.s32 $0x2800;
	s21 =	simm.s32 $0x2  }
0x4: {  	s22 =	simm.s32 $0x2780;
	s23 =	simm.s32 $0x6800;
	s24 =	simm.s32 $0x0  }
0x5: {  	[smem:$0x7FF] =	sst s3;
	s7 =	sand.u32 $0x1, s4;
	s8 =	smul.u32 $0x2800, s0  }
0x6: {  	s4 =	sadd.s32 $0x17600, s6;
	s10 =	sadd.s32 $0xCE00, s6;
	s11 =	sadd.s32 $0x2E00, s6  }
0x7: {  	s5 =	sadd.s32 $0x16E00, s6;
	s25 =	smul.u32 $0x50000, s0;
	s29 =	sshll.u32 s0, $0x6  }
0x8: {  	s9 =	smul.u32 $0x28000, s7;
	s26 =	ssub.s32 $0x2, s7;
	s7 =	sshll.u32 s7, $0x4  }
0x9: {  	_ =	strace $0x8000004D;
	s28 =	sshrl.u32 s26, $0x1;
	s7 =	sor.u32 s0, s7  }
0xa: {  	s8 =	sadd.s32 s8, s9;
	s9 =	sshrl.u32 s25, $0x2;
	s14 =	smul.u32 $0x2800, s7  }
0xb: {  	s15 =	ssub.s32 s26, s28;
	s30 =	smul.u32 $0x500, s7;
	s13 =	sadd.s32 s9, s2  }
0xc: {  	s12 =	sadd.s32 s8, s6;
	s6 =	sor.u32 $0x1C03, s29;
	s16 =	sadd.s32 $0x4000, s13  }
0xd: {  	s17 =	sadd.s32 $0x8000, s13;
	s31 =	sshrl.u32 s14, $0x3;
	s18 =	sadd.s32 $0xC000, s13  }
0xe: {  	s19 =	sadd.s32 $0x10000, s13;
	s7 =	sadd.s32 s10, s30;
	s14 =	sadd.s32 $0x280, s31  }
0xf: {  	s8 =	sadd.s32 s11, s30;
	s13 =	sshrl.u32 s13, $0x3;
	s9 =	sadd.s32 s10, s14  }
0x10: {  	s10 =	sadd.s32 s11, s14;
	s11 =	sadd.s32 $0x3E800, s12;
	s12 =	smax.u32 s15, $0x1  }
0x11: {  	s14 =	simm.s32 $0x3;
	s15 =	sshrl.u32 s16, $0x3;
	s16 =	sshrl.u32 s17, $0x3  }
0x12: {  	s17 =	sshrl.u32 s18, $0x3;
	s18 =	sshrl.u32 s19, $0x3;
	s19 =	simm.s32 $0x7D  }
.LBB2_1:
0x13: {  	[spmem:s13], [sflag:s6] =	dma.local [hbm:s5], $0x800  }
0x14: {  	_ =	swait.ge [sflag:s14], $0x800  }
0x15: {  	[sflag:s14] =	ssyncset.done $0x0  }
0x16: {  	[sflag:s14] =	ssyncadd.s32 $0xFFFFF800  }
0x17: {  	[spmem:s15], [sflag:s6] =	dma.local [hbm:s5], $0x800  }
0x18: {  	_ =	swait.ge [sflag:s14], $0x800  }
0x19: {  	[sflag:s14] =	ssyncset.done $0x0  }
0x1a: {  	[sflag:s14] =	ssyncadd.s32 $0xFFFFF800  }
0x1b: {  	[spmem:s16], [sflag:s6] =	dma.local [hbm:s5], $0x800  }
0x1c: {  	_ =	swait.ge [sflag:s14], $0x800  }
0x1d: {  	[sflag:s14] =	ssyncset.done $0x0  }
0x1e: {  	[sflag:s14] =	ssyncadd.s32 $0xFFFFF800  }
0x1f: {  	[spmem:s17], [sflag:s6] =	dma.local [hbm:s5], $0x800  }
0x20: {  	_ =	swait.ge [sflag:s14], $0x800  }
0x21: {  	[sflag:s14] =	ssyncset.done $0x0  }
0x22: {  	[sflag:s14] =	ssyncadd.s32 $0xFFFFF800  }
0x23: {  	[spmem:s18], [sflag:s6] =	dma.local [hbm:s5], $0x800  }
0x24: {  	_ =	swait.ge [sflag:s14], $0x800  }
0x25: {  	[sflag:s14] =	ssyncset.done $0x0  }
0x26: {  	[sflag:s14] =	ssyncadd.s32 $0xFFFFF800  }
0x27: {  	[bflag:$0x0] =	sbarrier.arrive $0xFFFF  }
0x28: {  	[tilespmem:s3], [sflag:$0x3] =	stream.linear.gather [hbm4b:s7+s3], $0x1400, $0x38;
	[tilespmem:$0x1E800] =	vst v63  }
0x29: {  	_ =	swait.ge [sflag:s14], $0x1400  }
0x2a: {  	[sflag:s14] =	ssyncset.done $0x0  }
0x2b: {  	s25 =	simm.s32 $0x1400;
	[sflag:s14] =	ssyncadd.s32 $0xFFFFEC00  }
0x2c: {  	[tilespmem:s25], [sflag:$0x3] =	stream.linear.gather [hbm4b:s8+s3], $0x1400, $0x38;
	[tilespmem:$0x1E800] =	vst v63  }
0x2d: {  	s26 =	sand.u32 $0x1, s3;
	_ =	swait.ge [sflag:s14], $0x1400  }
0x2e: {  	p0 =	seq.s32 s26, $0x1;
	[sflag:s14] =	ssyncset.done $0x0  }
0x2f: {  	s26 =	simm.s32 @p0 $0x2;
	[sflag:s14] =	ssyncadd.s32 $0xFFFFEC00  }
0x30: {  	[tilespmem:s20], [sflag:$0x1] =	stream.indirect.gather [hbm4b:s4+s19], $0x80, s3, s19, $0xb8;
	[tilespmem:$0x1E800] =	vst v63  }
0x31: {  	_ =	swait.ge @p0 [sflag:s26], $0x3E80  }
0x32: {  	s29 =	simm.s32 $0x80;
	[sflag:s26] =	ssyncset.done @p0 $0x0  }
0x33: {  	s28 =	simm.s32 @p0 $0x2800;
	[sflag:s26] =	ssyncadd.s32 @p0 $0xFFFFC180;
	s26 =	simm.s32 @p0 $0x7D  }
0x34: {  	[tilespmem:s28], [sflag:$0x1] =	stream.indirect.gather @p0 [hbm4b:s4+s26], $0x80, s29, s26, $0xb8;
	[tilespmem:$0x1E800] =	vst v63  }
0x35: {  	s30 =	simm.s32 @!p0 $0x1;
	s28 =	simm.s32 @p0 $0x6800  }
0x36: {  	[spmem:s2] =	stream.indirect.scatter.add.f32 @p0 [tilespmem:s28], [sflag:$0x3], $0x80, s25, s26, $0xb8;
	[tilespmem:$0x1E800] =	vst v63  }
0x37: {  	_ =	swait.ge @!p0 [sflag:s30], $0x3E80  }
0x38: {  	s28 =	simm.s32 @!p0 $0x4;
	[sflag:s30] =	ssyncset.done @!p0 $0x0  }
0x39: {  	s26 =	simm.s32 @!p0 $0x7D;
	[sflag:s30] =	ssyncadd.s32 @!p0 $0xFFFFC180;
	s30 =	simm.s32 @!p0 $0x6800  }
0x3a: {  	[tilespmem:s30], [sflag:$0x2] =	stream.indirect.gather @!p0 [hbm4b:s4+s26], $0x80, s29, s26, $0xb8;
	[tilespmem:$0x1E800] =	vst v63  }
0x3b: {  	s28 =	simm.s32 @p0 $0x3;
	s30 =	simm.s32 $0x1;
	s29 =	simm.s32 @!p0 $0x2800  }
0x3c: {  	[spmem:s2] =	stream.indirect.scatter.add.f32 @!p0 [tilespmem:s29], [sflag:$0x4], $0x80, s25, s26, $0xb8;
	[tilespmem:$0x1E800] =	vst v63  }
0x3d: {  	s30 =	sand.u32 $0x1, s30;
	s29 =	simm.s32 $0x2;
	_ =	swait.ge [sflag:s28], $0x3E80  }
0x3e: {  	s25 =	simm.s32 $0x100;
	s26 =	simm.s32 $0x1480;
	[sflag:s28] =	ssyncset.done $0x0  }
.LBB2_2:
0x3f: {  	p1 =	seq.s32 s30, $0x1  }
0x40: {  	[sflag:s28] =	ssyncadd.s32 $0xFFFFC180;
	s30 =	smov.u32 s29;
	s29 =	sadd.s32 $0x1, s29  }
0x41: {  	p0 =	sne.s32 s29, $0x27;
	s31 =	simm.s32 @p1 $0x2;
	s28 =	simm.s32 @!p1 $0x4  }
0x42: {  	_ =	swait.ge @p1 [sflag:s31], $0x3E80  }
0x43: {  	[sflag:s31] =	ssyncset.done @p1 $0x0  }
0x44: {  	s0 =	simm.s32 @p1 $0x2800;
	[sflag:s31] =	ssyncadd.s32 @p1 $0xFFFFC180;
	s31 =	simm.s32 @p1 $0x7D  }
0x45: {  	[tilespmem:s0], [sflag:$0x1] =	stream.indirect.gather @p1 [hbm4b:s4+s31], $0x80, s25, s31, $0xb8;
	[tilespmem:$0x1E800] =	vst v63  }
0x46: {  	s1 =	simm.s32 @!p1 $0x1;
	s0 =	simm.s32 @p1 $0x6800  }
0x47: {  	[spmem:s2] =	stream.indirect.scatter.add.f32 @p1 [tilespmem:s0], [sflag:$0x3], $0x80, s26, s31, $0xb8;
	[tilespmem:$0x1E800] =	vst v63  }
0x48: {  	_ =	swait.ge @!p1 [sflag:s1], $0x3E80  }
0x49: {  	[sflag:s1] =	ssyncset.done @!p1 $0x0  }
0x4a: {  	s0 =	simm.s32 @!p1 $0x7D;
	[sflag:s1] =	ssyncadd.s32 @!p1 $0xFFFFC180;
	s1 =	simm.s32 @!p1 $0x6800  }
0x4b: {  	[tilespmem:s1], [sflag:$0x2] =	stream.indirect.gather @!p1 [hbm4b:s4+s0], $0x80, s25, s0, $0xb8;
	[tilespmem:$0x1E800] =	vst v63  }
.Ltmp0:
0x4c: {  	_ = 	snop;
	(pc) =	sbr.rel @p0 .LBB2_2-.Ltmp0, $4  }
0x4d: {  	s28 =	simm.s32 @p1 $0x3;
	s1 =	simm.s32 @!p1 $0x2800  }
0x4e: {  	[spmem:s2] =	stream.indirect.scatter.add.f32 @!p1 [tilespmem:s1], [sflag:$0x4], $0x80, s26, s0, $0xb8;
	[tilespmem:$0x1E800] =	vst v63  }
0x4f: {  	s25 =	sadd.s32 $0x80, s25;
	_ =	swait.ge [sflag:s28], $0x3E80  }
0x50: {  	s30 =	sand.u32 $0x1, s30;
	s26 =	sadd.s32 $0x80, s26;
	[sflag:s28] =	ssyncset.done $0x0  }
0x51: {  	p0 =	seq.s32 s30, $0x1  }
0x52: {  	[sflag:s28] =	ssyncadd.s32 $0xFFFFC180;
	s0 =	simm.s32 @p0 $0x2  }
0x53: {  	_ =	swait.ge @p0 [sflag:s0], $0x3E80  }
0x54: {  	[sflag:s0] =	ssyncset.done @p0 $0x0  }
0x55: {  	s1 =	simm.s32 @p0 $0x2800;
	[sflag:s0] =	ssyncadd.s32 @p0 $0xFFFFC180;
	s0 =	simm.s32 @p0 $0x7D  }
0x56: {  	[tilespmem:s1], [sflag:$0x1] =	stream.indirect.gather @p0 [hbm4b:s4+s0], $0x80, s25, s0, $0xb8;
	[tilespmem:$0x1E800] =	vst v63  }
0x57: {  	s28 =	simm.s32 @!p0 $0x1;
	s1 =	simm.s32 @p0 $0x6800  }
0x58: {  	[spmem:s2] =	stream.indirect.scatter.add.f32 @p0 [tilespmem:s1], [sflag:$0x3], $0x80, s26, s0, $0xb8;
	[tilespmem:$0x1E800] =	vst v63  }
0x59: {  	_ =	swait.ge @!p0 [sflag:s28], $0x3E80  }
0x5a: {  	s0 =	simm.s32 @!p0 $0x4;
	[sflag:s28] =	ssyncset.done @!p0 $0x0  }
0x5b: {  	s1 =	simm.s32 @!p0 $0x7D;
	[sflag:s28] =	ssyncadd.s32 @!p0 $0xFFFFC180;
	s28 =	simm.s32 @!p0 $0x6800  }
0x5c: {  	[tilespmem:s28], [sflag:$0x2] =	stream.indirect.gather @!p0 [hbm4b:s4+s1], $0x80, s25, s1, $0xb8;
	[tilespmem:$0x1E800] =	vst v63  }
0x5d: {  	s0 =	simm.s32 @p0 $0x3;
	s25 =	simm.s32 @!p0 $0x2800  }
0x5e: {  	[spmem:s2] =	stream.indirect.scatter.add.f32 @!p0 [tilespmem:s25], [sflag:$0x4], $0x80, s26, s1, $0xb8;
	[tilespmem:$0x1E800] =	vst v63  }
0x5f: {  	_ =	swait.ge [sflag:s0], $0x3E80  }
0x60: {  	[sflag:s0] =	ssyncset.done $0x0  }
0x61: {  	[sflag:s0] =	ssyncadd.s32 $0xFFFFC180  }
0x62: {  	_ =	swait.ge [sflag:s21], $0x3E80  }
0x63: {  	[sflag:s21] =	ssyncset.done $0x0  }
0x64: {  	[sflag:s21] =	ssyncadd.s32 $0xFFFFC180  }
0x65: {  	[spmem:s2] =	stream.indirect.scatter.add.f32 [tilespmem:s23], [sflag:$0x3], $0x80, s22, s19, $0xb8;
	[tilespmem:$0x1E800] =	vst v63  }
0x66: {  	_ =	swait.ge [sflag:s14], $0x3E80  }
0x67: {  	[sflag:s14] =	ssyncset.done $0x0  }
0x68: {  	s26 =	simm.s32 $0x0;
	[sflag:s14] =	ssyncadd.s32 $0xFFFFC180  }
0x69: {  	[tilespmem:s26], [sflag:$0x3] =	stream.linear.gather [hbm4b:s9+s26], $0x1400, $0x38;
	[tilespmem:$0x1E800] =	vst v63  }
0x6a: {  	_ =	swait.ge [sflag:s14], $0x1400  }
0x6b: {  	[sflag:s14] =	ssyncset.done $0x0  }
0x6c: {  	s1 =	simm.s32 $0x1400;
	[sflag:s14] =	ssyncadd.s32 $0xFFFFEC00  }
0x6d: {  	[tilespmem:s1], [sflag:$0x3] =	stream.linear.gather [hbm4b:s10+s26], $0x1400, $0x38;
	[tilespmem:$0x1E800] =	vst v63  }
0x6e: {  	s0 =	sand.u32 $0x1, s26;
	_ =	swait.ge [sflag:s14], $0x1400  }
0x6f: {  	p0 =	seq.s32 s0, $0x1;
	[sflag:s14] =	ssyncset.done $0x0  }
0x70: {  	s0 =	simm.s32 @p0 $0x2;
	[sflag:s14] =	ssyncadd.s32 $0xFFFFEC00  }
0x71: {  	[tilespmem:s20], [sflag:$0x1] =	stream.indirect.gather [hbm4b:s4+s19], $0x80, s26, s19, $0xb8;
	[tilespmem:$0x1E800] =	vst v63  }
0x72: {  	_ =	swait.ge @p0 [sflag:s0], $0x3E80  }
0x73: {  	s25 =	simm.s32 $0x80;
	[sflag:s0] =	ssyncset.done @p0 $0x0  }
0x74: {  	s26 =	simm.s32 @p0 $0x2800;
	[sflag:s0] =	ssyncadd.s32 @p0 $0xFFFFC180;
	s0 =	simm.s32 @p0 $0x7D  }
0x75: {  	[tilespmem:s26], [sflag:$0x1] =	stream.indirect.gather @p0 [hbm4b:s4+s0], $0x80, s25, s0, $0xb8;
	[tilespmem:$0x1E800] =	vst v63  }
0x76: {  	s29 =	simm.s32 @!p0 $0x1;
	s26 =	simm.s32 @p0 $0x6800  }
0x77: {  	[spmem:s2] =	stream.indirect.scatter.add.f32 @p0 [tilespmem:s26], [sflag:$0x3], $0x80, s1, s0, $0xb8;
	[tilespmem:$0x1E800] =	vst v63  }
0x78: {  	_ =	swait.ge @!p0 [sflag:s29], $0x3E80  }
0x79: {  	s28 =	simm.s32 @!p0 $0x4;
	[sflag:s29] =	ssyncset.done @!p0 $0x0  }
0x7a: {  	s0 =	simm.s32 @!p0 $0x7D;
	s26 =	simm.s32 @!p0 $0x6800;
	[sflag:s29] =	ssyncadd.s32 @!p0 $0xFFFFC180  }
0x7b: {  	[tilespmem:s26], [sflag:$0x2] =	stream.indirect.gather @!p0 [hbm4b:s4+s0], $0x80, s25, s0, $0xb8;
	[tilespmem:$0x1E800] =	vst v63  }
0x7c: {  	s31 =	simm.s32 $0x1;
	s28 =	simm.s32 @p0 $0x3;
	s25 =	simm.s32 @!p0 $0x2800  }
0x7d: {  	[spmem:s2] =	stream.indirect.scatter.add.f32 @!p0 [tilespmem:s25], [sflag:$0x4], $0x80, s1, s0, $0xb8;
	[tilespmem:$0x1E800] =	vst v63  }
0x7e: {  	s30 =	sand.u32 $0x1, s31;
	s29 =	simm.s32 $0x2;
	_ =	swait.ge [sflag:s28], $0x3E80  }
0x7f: {  	s26 =	simm.s32 $0x1480;
	s25 =	simm.s32 $0x100;
	[sflag:s28] =	ssyncset.done $0x0  }
.LBB2_4:
0x80: {  	p1 =	seq.s32 s30, $0x1  }
0x81: {  	[sflag:s28] =	ssyncadd.s32 $0xFFFFC180;
	s0 =	smov.u32 s29;
	s29 =	sadd.s32 $0x1, s29  }
0x82: {  	p0 =	sne.s32 s29, $0x27;
	s1 =	simm.s32 @p1 $0x2;
	s28 =	simm.s32 @!p1 $0x4  }
0x83: {  	_ =	swait.ge @p1 [sflag:s1], $0x3E80  }
0x84: {  	[sflag:s1] =	ssyncset.done @p1 $0x0  }
0x85: {  	s30 =	simm.s32 @p1 $0x2800;
	[sflag:s1] =	ssyncadd.s32 @p1 $0xFFFFC180;
	s1 =	simm.s32 @p1 $0x7D  }
0x86: {  	[tilespmem:s30], [sflag:$0x1] =	stream.indirect.gather @p1 [hbm4b:s4+s1], $0x80, s25, s1, $0xb8;
	[tilespmem:$0x1E800] =	vst v63  }
0x87: {  	s31 =	simm.s32 @!p1 $0x1;
	s30 =	simm.s32 @p1 $0x6800  }
0x88: {  	[spmem:s2] =	stream.indirect.scatter.add.f32 @p1 [tilespmem:s30], [sflag:$0x3], $0x80, s26, s1, $0xb8;
	[tilespmem:$0x1E800] =	vst v63  }
0x89: {  	_ =	swait.ge @!p1 [sflag:s31], $0x3E80  }
0x8a: {  	[sflag:s31] =	ssyncset.done @!p1 $0x0  }
0x8b: {  	s1 =	simm.s32 @!p1 $0x7D;
	s30 =	simm.s32 @!p1 $0x6800;
	[sflag:s31] =	ssyncadd.s32 @!p1 $0xFFFFC180  }
0x8c: {  	[tilespmem:s30], [sflag:$0x2] =	stream.indirect.gather @!p1 [hbm4b:s4+s1], $0x80, s25, s1, $0xb8;
	[tilespmem:$0x1E800] =	vst v63  }
.Ltmp1:
0x8d: {  	_ = 	snop;
	(pc) =	sbr.rel @p0 .LBB2_4-.Ltmp1, $4  }
0x8e: {  	s28 =	simm.s32 @p1 $0x3;
	s30 =	simm.s32 @!p1 $0x2800  }
0x8f: {  	[spmem:s2] =	stream.indirect.scatter.add.f32 @!p1 [tilespmem:s30], [sflag:$0x4], $0x80, s26, s1, $0xb8;
	[tilespmem:$0x1E800] =	vst v63  }
0x90: {  	s25 =	sadd.s32 $0x80, s25;
	_ =	swait.ge [sflag:s28], $0x3E80  }
0x91: {  	s30 =	sand.u32 $0x1, s0;
	s26 =	sadd.s32 $0x80, s26;
	[sflag:s28] =	ssyncset.done $0x0  }
0x92: {  	p0 =	seq.s32 s30, $0x1  }
0x93: {  	[sflag:s28] =	ssyncadd.s32 $0xFFFFC180;
	s0 =	simm.s32 @p0 $0x2  }
0x94: {  	_ =	swait.ge @p0 [sflag:s0], $0x3E80  }
0x95: {  	[sflag:s0] =	ssyncset.done @p0 $0x0  }
0x96: {  	s1 =	simm.s32 @p0 $0x2800;
	[sflag:s0] =	ssyncadd.s32 @p0 $0xFFFFC180;
	s0 =	simm.s32 @p0 $0x7D  }
0x97: {  	[tilespmem:s1], [sflag:$0x1] =	stream.indirect.gather @p0 [hbm4b:s4+s0], $0x80, s25, s0, $0xb8;
	[tilespmem:$0x1E800] =	vst v63  }
0x98: {  	s28 =	simm.s32 @!p0 $0x1;
	s1 =	simm.s32 @p0 $0x6800  }
0x99: {  	[spmem:s2] =	stream.indirect.scatter.add.f32 @p0 [tilespmem:s1], [sflag:$0x3], $0x80, s26, s0, $0xb8;
	[tilespmem:$0x1E800] =	vst v63  }
0x9a: {  	_ =	swait.ge @!p0 [sflag:s28], $0x3E80  }
0x9b: {  	s0 =	simm.s32 @!p0 $0x4;
	[sflag:s28] =	ssyncset.done @!p0 $0x0  }
0x9c: {  	s1 =	simm.s32 @!p0 $0x7D;
	[sflag:s28] =	ssyncadd.s32 @!p0 $0xFFFFC180;
	s28 =	simm.s32 @!p0 $0x6800  }
0x9d: {  	[tilespmem:s28], [sflag:$0x2] =	stream.indirect.gather @!p0 [hbm4b:s4+s1], $0x80, s25, s1, $0xb8;
	[tilespmem:$0x1E800] =	vst v63  }
0x9e: {  	s0 =	simm.s32 @p0 $0x3;
	s25 =	simm.s32 @!p0 $0x2800  }
0x9f: {  	[spmem:s2] =	stream.indirect.scatter.add.f32 @!p0 [tilespmem:s25], [sflag:$0x4], $0x80, s26, s1, $0xb8;
	[tilespmem:$0x1E800] =	vst v63  }
0xa0: {  	_ =	swait.ge [sflag:s0], $0x3E80  }
0xa1: {  	[sflag:s0] =	ssyncset.done $0x0  }
0xa2: {  	[sflag:s0] =	ssyncadd.s32 $0xFFFFC180  }
0xa3: {  	_ =	swait.ge [sflag:s21], $0x3E80  }
0xa4: {  	[sflag:s21] =	ssyncset.done $0x0  }
0xa5: {  	[sflag:s21] =	ssyncadd.s32 $0xFFFFC180  }
0xa6: {  	[spmem:s2] =	stream.indirect.scatter.add.f32 [tilespmem:s23], [sflag:$0x3], $0x80, s22, s19, $0xb8;
	[tilespmem:$0x1E800] =	vst v63  }
0xa7: {  	_ =	swait.ge [sflag:s14], $0x3E80  }
0xa8: {  	s24 =	sadd.s32 $0x1, s24;
	[sflag:s14] =	ssyncset.done $0x0  }
0xa9: {  	p0 =	sne.s32 s24, s12;
	[sflag:s14] =	ssyncadd.s32 $0xFFFFC180  }
.Ltmp2:
0xaa: {  	[bflag:$0x0] =	sbarrier.arrive $0xFFFF;
	(pc) =	sbr.rel @p0 .LBB2_1-.Ltmp2, $4  }
0xab: {  	[hbm:s11], [sflag:s6] =	dma.local [spmem:s13], $0x2800  }
0xac: {  	_ =	swait.ge [sflag:s14], $0x2800  }
0xad: {  	[sflag:s14] =	ssyncset.done $0x0  }
0xae: {  	[sflag:s14] =	ssyncadd.s32 $0xFFFFD800  }
0xaf: {  	_ =	sfence.sel $0x180000  }
0xb0: {  	[bflag:$0x0] =	sbarrier.arrive $0xFFFF  }
0xb1: {  	_ =	strace $0x9000004D  }
0xb2: {  	s0 =	stileid.u32;
	[bflag:$0x2] =	sbarrier.arrive $0xFFFF  }
0xb3: {  	p0 =	sne.s32 s0, $0x0;
	s0 =	rddreg [dreg:$0x2]  }
0xb4: {  	s0 =	sadd.s32 @!p0 $0x100000, s0  }
0xb5: {  	[sflag:s0] =	ssyncadd.tile.s32 @!p0 $0x1;
	_ =	shalt  }
.Lfunc_end2:
_tile_overlayer_lowered:
.L_overlay_start_2:
0xb6: {  	(tag) =	ssettag $0x2  }
0xb7: {  	s0 =	rddreg [dreg:$0x0];
	s2 =	stileid.u32  }
0xb8: {  	s1 =	rddreg [dreg:$0x1];
	p0 =	sne.s32 s2, $0x0  }
0xb9: {  	s3 =	rddreg [dreg:$0x2];
	[bflag:$0x3] =	sbarrier.arrive $0xFFFF;
	s2 =	simm.s32 @!p0 $0x1C03  }
0xba: {  	[timem:s3], [sflag:s2] =	dma.local @!p0 [hbm:s0], s1  }
0xbb: {  	s0 =	simm.s32 @!p0 $0x3  }
0xbc: {  	_ =	swait.ge @!p0 [sflag:s0], s1  }
0xbd: {  	s1 =	ssub.s32 @!p0 $0x0, s1;
	[sflag:s0] =	ssyncset.done @!p0 $0x0  }
0xbe: {  	[sflag:s0] =	ssyncadd.s32 @!p0 s1  }
0xbf: {  	[bflag:$0x3] =	sbarrier.arrive $0xFFFF  }
0xc0: {  	_ =	shalt  }

// kernel: kernel.7.cloned.1.call-start
scs
__scs_entry_jumppad:
0x0: {  	(pc) =	sbr.rel $0x88, $3  }
0x1: {  	(tag) =	ssettag $0x0;
	lr =	simm.s32 $0x1  }
0x2: {  	[smem:$0x3F92] =	sst lr;
	_ =	strace $0xD0000000  }
0x3: {  	_ = 	snop  }
0x4: {  	_ = 	snop  }
0x5: {  	_ = 	snop  }
0x6: {  	_ = 	snop  }
0x7: {  	_ = 	snop  }
__scs_overlays_trampoline_lowered:
0x8: {  	[smem:$0x3FA1] =	sst s0  }
0x9: {  	[smem:$0x3FA2] =	sst s1  }
0xa: {  	[smem:$0x3FA3] =	sst s2  }
0xb: {  	[smem:$0x3FA4] =	sst s3  }
0xc: {  	[smem:$0x3FA5] =	sst s4  }
0xd: {  	[smem:$0x3FA6] =	sst s5  }
0xe: {  	[smem:$0x3FA7] =	sst s6  }
0xf: {  	[smem:$0x3FA8] =	sst s7  }
0x10: {  	[smem:$0x3FA9] =	sst s8  }
0x11: {  	[smem:$0x3FAA] =	sst s9;
	s0 =	simm.s32 @!p0 $0x0  }
0x12: {  	s1 =	sld [smem:$0x3F90];
	s0 =	simm.s32 @p0 $0x1  }
0x13: {  	[smem:$0x3FAB] =	sst s0;
	s0 =	simm.s32 @!p1 $0x0  }
0x14: {  	s2 =	sld [smem:$0x3F8F];
	s0 =	simm.s32 @p1 $0x1  }
0x15: {  	[smem:$0x3FAC] =	sst s0;
	s0 =	simm.s32 @!p2 $0x0  }
0x16: {  	s3 =	sld [smem:$0x3FDB];
	s0 =	simm.s32 @p2 $0x1  }
0x17: {  	s4 =	simm.s32 $0x1BF5;
	[smem:$0x3FAE] =	sst s0  }
0x18: {  	s0 =	sld [smem:$0x3F91];
	_ =	swait.ge [sflag:s4], $0x0  }
0x19: {  	s7 =	sld [smem:$0x3F92]  }
0x1a: {  	s8 =	sadd.s32 $0xFFFFE003, lr  }
0x1b: {  	s9 =	sadd.s32 $0xFFFFFEF7, lr;
	s5 =	simm.s32 $0xFFFFFFFF;
	p2 =	slt.u32 s8, $0xFFFFF086  }
0x1c: {  	p1 =	slt.u32 s9, $0xF7A;
	s5 =	simm.s32 @!p2 $0x0  }
0x1d: {  	s5 =	simm.s32 @p1 $0x1;
	p0 =	seq.s32 s7, s2  }
0x1e: {  	s7 =	smul.u32 @!p0 $0xF7A, s2;
	p2 =	seq.s32 @!p0 s5, $0x0  }
0x1f: {  	s9 =	smul.u32 $0xF7A, s1;
	s8 =	simm.s32 @!p0 $0x1BF5;
	p2 =	por !p2, p0  }
0x20: {  	[sflag:s8] =	ssyncset.s32 @!p0 $0xFFFFF086;
	s6 =	sadd.s32 @!p0 s3, s7;
	s7 =	simm.s32 @!p0 $0x108  }
0x21: {  	s3 =	sadd.s32 s3, s9;
	s6 =	sadd.s32 @!p0 $0x88, s6;
	s7 =	simm.s32 @p2 $0x1082  }
0x22: {  	[simem:s7], [sflag:s8] =	dma.local @!p0 [hbm:s6], $0xF7A  }
0x23: {  	s9 =	sor.u32 $0xD0000000, s2;
	s6 =	simm.s32 $0x108;
	_ =	swait.ge @!p0 [sflag:s8], $0x0  }
0x24: {  	s3 =	sadd.s32 $0x88, s3;
	s6 =	simm.s32 @!p1 $0x1082;
	[sflag:s4] =	ssyncset.s32 $0xFFFFF086  }
0x25: {  	[simem:s6], [sflag:s4] =	dma.local [hbm:s3], $0xF7A  }
0x26: {  	[smem:$0x3F92] =	sst s1;
	(tag) =	ssettag s2;
	_ =	strace s9  }
0x27: {  	s1 =	sld [smem:$0x3FA2]  }
0x28: {  	s2 =	sld [smem:$0x3FA3]  }
0x29: {  	s4 =	sld [smem:$0x3FA5]  }
0x2a: {  	p0 =	seq.s32 s5, $0x0;
	s5 =	sld [smem:$0x3FA6]  }
0x2b: {  	s6 =	sld [smem:$0x3FA7]  }
0x2c: {  	s7 =	sld [smem:$0x3FA8]  }
0x2d: {  	s3 =	simm.s32 $0x108;
	s8 =	sld [smem:$0x3FA9]  }
0x2e: {  	s3 =	simm.s32 @!p0 $0x1082;
	s9 =	sld [smem:$0x3FAA]  }
0x2f: {  	lr =	sadd.s32 s0, s3;
	s0 =	sld [smem:$0x3FA1]  }
0x30: {  	s3 =	sld [smem:$0x3FA4]  }
0x31: {  	[smem:$0x3FAD] =	sst s10  }
0x32: {  	s10 =	sld [smem:$0x3FAB];
	_ =	sdelay $0x3  }
0x33: {  	p0 =	seq.s32 s10, $0x1;
	s10 =	sld [smem:$0x3FAD];
	_ =	sdelay $0x3  }
0x34: {  	[smem:$0x3FAD] =	sst s10  }
0x35: {  	s10 =	sld [smem:$0x3FAC];
	_ =	sdelay $0x3  }
0x36: {  	p1 =	seq.s32 s10, $0x1;
	s10 =	sld [smem:$0x3FAD];
	_ =	sdelay $0x3  }
0x37: {  	[smem:$0x3FAD] =	sst s10  }
0x38: {  	s10 =	sld [smem:$0x3FAE]  }
0x39: {  	_ = 	snop;
	(pc) =	sbr.ind lr, $3  }
0x3a: {  	_ = 	snop  }
0x3b: {  	_ = 	snop  }
0x3c: {  	p2 =	seq.s32 s10, $0x1;
	s10 =	sld [smem:$0x3FAD]  }
0x3d: {  	_ =	shalt  }
0x3e: {  	_ =	shalt  }
0x3f: {  	_ =	shalt  }
0x40: {  	_ =	shalt  }
0x41: {  	_ =	shalt  }
0x42: {  	_ =	shalt  }
0x43: {  	_ =	shalt  }
0x44: {  	_ =	shalt  }
0x45: {  	_ =	shalt  }
0x46: {  	_ =	shalt  }
0x47: {  	_ =	shalt  }
0x48: {  	_ =	shalt  }
0x49: {  	_ =	shalt  }
0x4a: {  	_ =	shalt  }
0x4b: {  	_ =	shalt  }
0x4c: {  	_ =	shalt  }
0x4d: {  	_ =	shalt  }
0x4e: {  	_ =	shalt  }
0x4f: {  	_ =	shalt  }
0x50: {  	_ =	shalt  }
0x51: {  	_ =	shalt  }
0x52: {  	_ =	shalt  }
0x53: {  	_ =	shalt  }
0x54: {  	_ =	shalt  }
0x55: {  	_ =	shalt  }
0x56: {  	_ =	shalt  }
0x57: {  	_ =	shalt  }
0x58: {  	_ =	shalt  }
0x59: {  	_ =	shalt  }
0x5a: {  	_ =	shalt  }
0x5b: {  	_ =	shalt  }
0x5c: {  	_ =	shalt  }
0x5d: {  	_ =	shalt  }
0x5e: {  	_ =	shalt  }
0x5f: {  	_ =	shalt  }
0x60: {  	_ =	shalt  }
0x61: {  	_ =	shalt  }
0x62: {  	_ =	shalt  }
0x63: {  	_ =	shalt  }
0x64: {  	_ =	shalt  }
0x65: {  	_ =	shalt  }
0x66: {  	_ =	shalt  }
0x67: {  	_ =	shalt  }
0x68: {  	_ =	shalt  }
0x69: {  	_ =	shalt  }
0x6a: {  	_ =	shalt  }
0x6b: {  	_ =	shalt  }
0x6c: {  	_ =	shalt  }
0x6d: {  	_ =	shalt  }
0x6e: {  	_ =	shalt  }
0x6f: {  	_ =	shalt  }
0x70: {  	_ =	shalt  }
0x71: {  	_ =	shalt  }
0x72: {  	_ =	shalt  }
0x73: {  	_ =	shalt  }
0x74: {  	_ =	shalt  }
0x75: {  	_ =	shalt  }
0x76: {  	_ =	shalt  }
0x77: {  	_ =	shalt  }
0x78: {  	_ =	shalt  }
0x79: {  	_ =	shalt  }
0x7a: {  	_ =	shalt  }
0x7b: {  	_ =	shalt  }
0x7c: {  	_ =	shalt  }
0x7d: {  	_ =	shalt  }
0x7e: {  	_ =	shalt  }
0x7f: {  	_ =	shalt  }
0x80: {  	_ =	shalt  }
0x81: {  	_ =	shalt  }
0x82: {  	_ =	shalt  }
0x83: {  	_ =	shalt  }
0x84: {  	_ =	shalt  }
0x85: {  	_ =	shalt  }
0x86: {  	_ =	shalt  }
0x87: {  	_ =	shalt  }
.Lfunc_end0:
.L_simem_size_0:
called_computation_lowered:
.L_overlay_start_0:
0x88: {  	s2 =	sld [smem:$0x3FD9]  }
0x89: {  	s3 =	sld [smem:$0x3FFE];
	_ =	sdelay $0x1  }
0x8a: {  	s1 =	srdreg.scid  }
0x8b: {  	s0 =	sand.u32 $0x1, s1  }
0x8c: {  	s17 =	sshll.u32 s0, $0xA;
	s2 =	sadd.s32 s3, s2  }
0x8d: {  	s2 =	sadd.s32 s2, s17  }
0x8e: {  	[smem:$0x3FB9] =	sst s2  }
0x8f: {  	_ = 	snop  }
0x90: {  	(tm) =	ssettm $0x1  }
0x91: {  	s18 =	sld [smem:$0x3FFB];
	_ =	sdelay $0x3  }
0x92: {  	_ =	strace s18  }
0x93: {  	s2 =	sld [smem:$0x3FFC];
	_ =	sdelay $0x3  }
0x94: {  	_ =	strace s2  }
0x95: {  	s2 =	sld [smem:$0x3FFD];
	_ =	sdelay $0x3  }
0x96: {  	_ =	strace s2  }
0x97: {  	_ =	strace $0x8FFFFFFF  }
0x98: {  	s19 =	sld [smem:$0x3FDB];
	_ =	sdelay $0x1  }
0x99: {  	s20 =	simm.s32 $_scs_section_size  }
0x9a: {  	s4 =	simm.s32 $_size__tile_overlayer_lowered;
	s5 =	simm.s32 $_tile_overlayer_lowered  }
0x9b: {  	s6 =	simm.s32 $0x1BFF;
	s21 =	sshll.u32 s5, $0x1;
	s3 =	sadd.s32 s20, s19  }
0x9c: {  	s22 =	simm.s32 $0x0;
	s4 =	sshll.u32 s4, $0x1;
	s5 =	sadd.s32 s21, s3  }
0x9d: {  	[timem:s22], [sflag:s6] =	dma.local [hbm:s5], s4  }
0x9e: {  	_ =	swait.ge [sflag:s6], s4  }
0x9f: {  	s4 =	ssub.s32 $0x0, s4;
	[sflag:s6] =	ssyncset.done $0x0  }
0xa0: {  	[sflag:s6] =	ssyncadd.s32 s4;
	_ =	sdelay $0x1  }
0xa1: {  	s23 =	simm.s32 $0x1B8B  }
0xa2: {  	_ =	swait.ge [sflag:s23], $0x1  }
0xa3: {  	[sflag:s23] =	ssyncset.done $0x0  }
0xa4: {  	[sflag:s23] =	ssyncadd.s32 $0xFFFFFFFF  }
0xa5: {  	s4 =	sld [smem:$0x0]  }
0xa6: {  	s5 =	sand.u32 $0xFFFFFFFE, s1  }
0xa7: {  	p0 =	sne.s32 s1, s5  }
0xa8: {  	s5 =	sshll.u32 @p0 s5, $0xE  }
0xa9: {  	s5 =	sadd.s32 @p0 $0x11B8D, s5;
	s6 =	sshll.u32 @p0 s4, $0x11  }
0xaa: {  	s5 =	sor.u32 @p0 s6, s5  }
0xab: {  	[sflag:s5] =	ssyncadd.remote.s32 @p0 $0x1;
	_ =	sdelay $0x1  }
0xac: {  	s5 =	simm.s32 @p0 $0x1B8D  }
0xad: {  	_ =	swait.eq @p0 [sflag:s5], $0x1  }
0xae: {  	[sflag:s5] =	ssyncadd.s32 @p0 $0xFFFFFFFF  }
0xaf: {  	s6 =	sshll.u32 @!p0 s1, $0xE  }
0xb0: {  	s6 =	sor.u32 @!p0 $0x4000, s6;
	s5 =	simm.s32 @!p0 $0x1B8D  }
0xb1: {  	s4 =	sshll.u32 @!p0 s4, $0x11;
	s6 =	sadd.s32 @!p0 $0x11B8D, s6;
	_ =	swait.eq @!p0 [sflag:s5], $0x1  }
0xb2: {  	s4 =	sor.u32 @!p0 s4, s6;
	[sflag:s5] =	ssyncadd.s32 @!p0 $0xFFFFFFFF  }
0xb3: {  	s25 =	simm.s32 $0x1B8E;
	s24 =	sld [smem:$0x3FFE];
	[sflag:s4] =	ssyncadd.remote.s32 @!p0 $0x1  }
0xb4: {  	s26 =	simm.s32 $execute0_lowered;
	[smem:$0x3FD2] =	sst s25  }
0xb5: {  	s5 =	sshll.u32 s26, $0x1;
	_ =	strace $0x80000049;
	[dreg:$0x1] =	wrdreg $0xFFFFFFFF  }
0xb6: {  	s28 =	simm.s32 $_size_execute0_lowered;
	s3 =	sadd.s32 s3, s5;
	[dreg:$0x0] =	wrdreg $0x0  }
0xb7: {  	s5 =	sshll.u32 s28, $0x1;
	[dreg:$0x2] =	wrdreg s3  }
0xb8: {  	[dreg:$0x3] =	wrdreg s5  }
0xb9: {  	[dreg:$0x4] =	wrdreg $0xC0  }
0xba: {  	_ =	task [dreg:s22], $0x5FFFF  }
0xbb: {  	[dreg:$0x1] =	wrdreg $0xFFFFFFFF  }
0xbc: {  	[dreg:$0x0] =	wrdreg $0x60  }
0xbd: {  	[dreg:$0x2] =	wrdreg s24  }
0xbe: {  	[dreg:$0x3] =	wrdreg $0x68000  }
0xbf: {  	[dreg:$0x4] =	wrdreg $0x9  }
0xc0: {  	_ =	task.clear_ibuf [dreg:s22], $0x5FFFF;
	_ =	strace $0x90000049  }
0xc1: {  	s29 =	simm.s32 $0x9;
	_ =	strace $0x8000004B  }
0xc2: {  	_ =	swait.ge [sflag:s29], $0x1  }
0xc3: {  	[sflag:s29] =	ssyncadd.s32 $0xFFFFFFFF  }
0xc4: {  	_ =	strace $0x9000004B  }
0xc5: {  	_ =	sfence  }
0xc6: {  	s30 =	sld [smem:$0x0];
	_ =	sdelay $0x2  }
0xc7: {  	s31 =	sshll.u32 s1, $0xD;
	s1 =	sshrl.u32 s1, $0x2  }
0xc8: {  	s4 =	sand.u32 $0x4000, s31;
	s1 =	sadd.s32 s1, s30  }
0xc9: {  	s0 =	sor.u32 s4, s0;
	s1 =	sshll.u32 s1, $0x11  }
0xca: {  	s0 =	sor.u32 s1, s0  }
0xcb: {  	s0 =	sadd.s32 $0x8F2B, s0  }
0xcc: {  	[sflag:s0] =	ssyncadd.remote.s32 $0x1  }
0xcd: {  	_ =	sfence.sel $0xFFFF  }
0xce: {  	[dreg:$0x0] =	wrdreg $0xFFFFFFFF;
	(pc) =	sbr.abs _section_cstart, $3  }
0xcf: {  	[dreg:$0x1] =	wrdreg $0xFFFFFFFF  }
0xd0: {  	_ =	task.clear_ibuf [dreg:s22], $0x2FFFF;
	_ =	strace $0x9FFFFFFF  }
0xd1: {  	(tm) =	ssettm $0x7FFFFFFF  }
tec
execute0_lowered:
.L_overlay_start_1:
0x0: {  	(tag) =	ssettag $0x1  }
0x1: {  	s0 =	srdreg.scid;
	s7 =	rddreg [dreg:$0x0]  }
0x2: {  	s2 =	rddreg [dreg:$0x1];
	s3 =	simm.s32 $0x0;
	s17 =	simm.s32 $0x7D  }
0x3: {  	s18 =	simm.s32 $0x1;
	s6 =	sand.u32 $0x1, s0;
	s0 =	stileid.u32  }
0x4: {  	s19 =	simm.s32 $0x0;
	[smem:$0x7FF] =	sst s3;
	s8 =	smul.u32 $0x2800, s0  }
0x5: {  	s5 =	sadd.s32 $0x67600, s7;
	s1 =	sshll.u32 s6, $0x4;
	s9 =	smul.u32 $0x50000, s0  }
0x6: {  	s11 =	smul.u32 $0x28000, s6;
	s6 =	ssub.s32 $0x2, s6;
	s31 =	sshll.u32 s0, $0x6  }
0x7: {  	s4 =	sor.u32 s0, s1;
	s1 =	rddreg [dreg:$0x2];
	_ =	strace $0x8000004A  }
0x8: {  	s29 =	sshrl.u32 s6, $0x1;
	s4 =	smul.u32 $0x500, s4;
	s9 =	sshrl.u32 s9, $0x2  }
0x9: {  	s8 =	sadd.s32 s8, s11;
	s30 =	ssub.s32 s6, s29;
	s11 =	sor.u32 $0x1C02, s31  }
0xa: {  	s12 =	sadd.s32 s9, s2;
	s9 =	simm.s32 $0x2800;
	s10 =	sadd.s32 s4, s7  }
0xb: {  	s4 =	sadd.s32 $0x16E00, s7;
	s7 =	sadd.s32 s8, s7;
	s13 =	sadd.s32 $0x4000, s12  }
0xc: {  	s14 =	sadd.s32 $0x8000, s12;
	s15 =	sadd.s32 $0xC000, s12;
	s16 =	sadd.s32 $0x10000, s12  }
0xd: {  	s8 =	smax.u32 s30, $0x1;
	s12 =	sshrl.u32 s12, $0x3;
	s6 =	sadd.s32 $0x2E00, s10  }
0xe: {  	s7 =	sadd.s32 $0x67E00, s7;
	s10 =	simm.s32 $0x2;
	s13 =	sshrl.u32 s13, $0x3  }
0xf: {  	s14 =	sshrl.u32 s14, $0x3;
	s15 =	sshrl.u32 s15, $0x3;
	s16 =	sshrl.u32 s16, $0x3  }
.LBB2_1:
0x10: {  	[tilespmem:s9], [sflag:$0x2] =	stream.linear.gather [hbm4b:s5+s3], $0x3E80, $0x38;
	[tilespmem:$0x1A800] =	vst v63  }
0x11: {  	_ =	swait.ge [sflag:s10], $0x3E80  }
0x12: {  	[sflag:s10] =	ssyncset.done $0x0  }
0x13: {  	[sflag:s10] =	ssyncadd.s32 $0xFFFFC180  }
0x14: {  	[spmem:s12], [sflag:s11] =	dma.local [hbm:s4], $0x800  }
0x15: {  	_ =	swait.ge [sflag:s10], $0x800  }
0x16: {  	[sflag:s10] =	ssyncset.done $0x0  }
0x17: {  	[sflag:s10] =	ssyncadd.s32 $0xFFFFF800  }
0x18: {  	[spmem:s13], [sflag:s11] =	dma.local [hbm:s4], $0x800  }
0x19: {  	_ =	swait.ge [sflag:s10], $0x800  }
0x1a: {  	[sflag:s10] =	ssyncset.done $0x0  }
0x1b: {  	[sflag:s10] =	ssyncadd.s32 $0xFFFFF800  }
0x1c: {  	[spmem:s14], [sflag:s11] =	dma.local [hbm:s4], $0x800  }
0x1d: {  	_ =	swait.ge [sflag:s10], $0x800  }
0x1e: {  	[sflag:s10] =	ssyncset.done $0x0  }
0x1f: {  	[sflag:s10] =	ssyncadd.s32 $0xFFFFF800  }
0x20: {  	[spmem:s15], [sflag:s11] =	dma.local [hbm:s4], $0x800  }
0x21: {  	_ =	swait.ge [sflag:s10], $0x800  }
0x22: {  	[sflag:s10] =	ssyncset.done $0x0  }
0x23: {  	[sflag:s10] =	ssyncadd.s32 $0xFFFFF800  }
0x24: {  	[spmem:s16], [sflag:s11] =	dma.local [hbm:s4], $0x800  }
0x25: {  	_ =	swait.ge [sflag:s10], $0x800  }
0x26: {  	[sflag:s10] =	ssyncset.done $0x0  }
0x27: {  	[sflag:s10] =	ssyncadd.s32 $0xFFFFF800  }
0x28: {  	[bflag:$0x0] =	sbarrier.arrive $0xFFFF  }
0x29: {  	[tilespmem:s3], [sflag:$0x2] =	stream.linear.gather [hbm4b:s6+s3], $0x2800, $0x38;
	[tilespmem:$0x1A800] =	vst v63  }
0x2a: {  	_ =	swait.ge [sflag:s10], $0x2800  }
0x2b: {  	[sflag:s10] =	ssyncset.done $0x0  }
0x2c: {  	s20 =	simm.s32 $0x0;
	[sflag:s10] =	ssyncadd.s32 $0xFFFFD800  }
.LBB2_2:
0x2d: {  	p0 =	sne.s32 s20, $0x9E00  }
.Ltmp0:
0x2e: {  	_ = 	snop;
	(pc) =	sbr.rel @p0 .LBB2_2-.Ltmp0, $3  }
0x2f: {  	_ =	sdelay $0x1  }
0x30: {  	s21 =	sshra.s32 s20, $0x2;
	s20 =	sadd.s32 $0x200, s20  }
0x31: {  	[spmem:s2] =	stream.indirect.scatter.add.f32 [tilespmem:s9], [sflag:$0x1], $0x80, s21, s17, $0xb8;
	[tilespmem:$0x1A800] =	vst v63  }
0x32: {  	_ =	swait.ge [sflag:s18], $0x3E80  }
0x33: {  	s20 =	simm.s32 $0x4F;
	[sflag:s18] =	ssyncset.done $0x0  }
.LBB2_4:
0x34: {  	p0 =	sne.s32 s20, $0x1;
	s20 =	sadd.s32 $0xFFFFFFFF, s20;
	[sflag:s18] =	ssyncadd.s32 $0xFFFFC180  }
.Ltmp1:
0x35: {  	(pc) =	sbr.rel @p0 .LBB2_4-.Ltmp1, $3  }
0x36: {  	_ =	sdelay $0x1  }
0x37: {  	_ =	swait.ge [sflag:s18], $0x3E80  }
0x38: {  	[sflag:s18] =	ssyncset.done $0x0  }
0x39: {  	s19 =	sadd.s32 $0x1, s19  }
0x3a: {  	[sflag:s18] =	ssyncadd.s32 $0xFFFFC180;
	p0 =	sne.s32 s19, s8  }
.Ltmp2:
0x3b: {  	[bflag:$0x0] =	sbarrier.arrive $0xFFFF;
	(pc) =	sbr.rel @p0 .LBB2_1-.Ltmp2, $4  }
0x3c: {  	[hbm:s7], [sflag:s11] =	dma.local [spmem:s12], $0x2800  }
0x3d: {  	_ =	swait.ge [sflag:s10], $0x2800  }
0x3e: {  	[sflag:s10] =	ssyncset.done $0x0  }
0x3f: {  	[sflag:s10] =	ssyncadd.s32 $0xFFFFD800  }
0x40: {  	_ =	sfence.sel $0x180000  }
0x41: {  	[bflag:$0x0] =	sbarrier.arrive $0xFFFF  }
0x42: {  	p0 =	sne.s32 s0, $0x0;
	_ =	strace $0x9000004A  }
0x43: {  	s0 =	sadd.s32 @!p0 $0x100000, s1;
	[bflag:$0x2] =	sbarrier.arrive $0xFFFF  }
0x44: {  	[sflag:s0] =	ssyncadd.tile.s32 @!p0 $0x1;
	_ =	shalt  }
.Lfunc_end2:
_tile_overlayer_lowered:
.L_overlay_start_2:
0x45: {  	(tag) =	ssettag $0x2  }
0x46: {  	s0 =	rddreg [dreg:$0x0];
	s2 =	stileid.u32  }
0x47: {  	s1 =	rddreg [dreg:$0x1];
	p0 =	sne.s32 s2, $0x0  }
0x48: {  	s3 =	rddreg [dreg:$0x2];
	[bflag:$0x3] =	sbarrier.arrive $0xFFFF;
	s2 =	simm.s32 @!p0 $0x1C02  }
0x49: {  	[timem:s3], [sflag:s2] =	dma.local @!p0 [hbm:s0], s1  }
0x4a: {  	s0 =	simm.s32 @!p0 $0x2  }
0x4b: {  	_ =	swait.ge @!p0 [sflag:s0], s1  }
0x4c: {  	s1 =	ssub.s32 @!p0 $0x0, s1;
	[sflag:s0] =	ssyncset.done @!p0 $0x0  }
0x4d: {  	[sflag:s0] =	ssyncadd.s32 @!p0 s1  }
0x4e: {  	[bflag:$0x3] =	sbarrier.arrive $0xFFFF  }
0x4f: {  	_ =	shalt  }

</sc_bundles>
